<compile_context>
chip_gen: v7x
topology: tpu7x:2x2x1
jax: 0.10.2.dev20260603
libtpu: 0.0.44.dev20260713+nightly
codegen_flags: <defaults>
</compile_context>

<pallas_src>
import jax
import jax.numpy as jnp
from jax import lax
from jax.experimental import pallas as pl
from jax.experimental.pallas import tpu as pltpu
from jax.experimental.pallas import tpu_sc as plsc

N = 10000
NP = 10240
D = 128
H = 64
E = 320000
NT = 16
NC = 2
CH = 128
NCHUNK = 158
EPT = NCHUNK * CH
AGG_R = NP
PAD_ROW = N
RPT = 640
RC = 64
NKC = RPT // RC
C1 = 0.5
C2 = 0.5

_f32 = jnp.float32


def _sc_body(xc_hbm, col_hbm, row_hbm, v_hbm,
             agg, cidx, ridx, gbuf0, gbuf1, zeros, scalev, aggc, xcc, vc,
             gsem0, gsem1):
    c = lax.axis_index("c")
    s = lax.axis_index("s")
    base_n = c * NP + s * RPT
    abase = s * RPT

    pltpu.sync_copy(col_hbm.at[c, s], cidx)
    pltpu.sync_copy(row_hbm.at[s], ridx)

    @pl.loop(0, 32)
    def _fillz(r):
        for q in range(4):
            zeros[r, pl.ds(q * 16, 16)] = jnp.zeros((16,), _f32)

    @pl.loop(0, CH)
    def _fillo(r):
        for q in range(4):
            gbuf0[r, pl.ds(q * 16, 16)] = jnp.ones((16,), _f32)

    @pl.loop(0, RPT // 32)
    def _z(k):
        pltpu.sync_copy(zeros, agg.at[pl.ds(abase + k * 32, 32)])

    plsc.subcore_barrier()

    @pl.loop(0, NCHUNK)
    def _deg(j):
        pltpu.sync_copy(gbuf0, agg.at[ridx.at[j]], add=True)

    plsc.subcore_barrier()

    @pl.loop(0, NKC)
    def _scale(k):
        pltpu.sync_copy(agg.at[pl.ds(abase + k * RC, RC)], aggc)
        pltpu.sync_copy(zeros, agg.at[pl.ds(abase + k * RC, 32)])
        pltpu.sync_copy(zeros, agg.at[pl.ds(abase + k * RC + 32, 32)])

        @pl.loop(0, RC)
        def _srow(r):
            d = aggc[r, pl.ds(0, 16)]
            scalev[k * RC + r, :] = 1.0 / (d + 1.0)

        pltpu.sync_copy(xc_hbm.at[pl.ds(base_n + k * RC, RC)], vc)
        pltpu.sync_copy(vc, v_hbm.at[pl.ds(base_n + k * RC, RC)])

    plsc.subcore_barrier()

    @pl.loop(0, 50)
    def _iter(it):
        pltpu.async_copy(v_hbm.at[cidx.at[0]], gbuf0, gsem0)
        pltpu.async_copy(v_hbm.at[cidx.at[1]], gbuf1, gsem1)

        @pl.loop(0, NCHUNK, step=2)
        def _edge(j):
            pltpu.make_async_copy(v_hbm.at[pl.ds(0, CH)], gbuf0, gsem0).wait()
            pltpu.sync_copy(gbuf0, agg.at[ridx.at[j]], add=True)

            @pl.when(j + 2 < NCHUNK)
            def _():
                pltpu.async_copy(v_hbm.at[cidx.at[j + 2]], gbuf0, gsem0)

            pltpu.make_async_copy(v_hbm.at[pl.ds(0, CH)], gbuf1, gsem1).wait()
            pltpu.sync_copy(gbuf1, agg.at[ridx.at[j + 1]], add=True)

            @pl.when(j + 3 < NCHUNK)
            def _():
                pltpu.async_copy(v_hbm.at[cidx.at[j + 3]], gbuf1, gsem1)

        plsc.subcore_barrier()

        @pl.loop(0, NKC)
        def _comb(k):
            pltpu.sync_copy(agg.at[pl.ds(abase + k * RC, RC)], aggc)
            pltpu.sync_copy(zeros, agg.at[pl.ds(abase + k * RC, 32)])
            pltpu.sync_copy(zeros, agg.at[pl.ds(abase + k * RC + 32, 32)])
            pltpu.sync_copy(xc_hbm.at[pl.ds(base_n + k * RC, RC)], xcc)
            pltpu.sync_copy(v_hbm.at[pl.ds(base_n + k * RC, RC)], vc)

            @pl.loop(0, RC)
            def _row(r):
                sc = scalev[k * RC + r, :]
                for q in range(4):
                    sl = pl.ds(q * 16, 16)
                    a = aggc[r, sl]
                    v = vc[r, sl]
                    x = xcc[r, sl]
                    vc[r, sl] = C1 * sc * (a + v) + C2 * x

            pltpu.sync_copy(vc, v_hbm.at[pl.ds(base_n + k * RC, RC)])

        plsc.subcore_barrier()


_sc_propagate = pl.kernel(
    _sc_body,
    out_type=jax.ShapeDtypeStruct((NC * NP, H), _f32),
    mesh=plsc.VectorSubcoreMesh(core_axis_name="c", subcore_axis_name="s",
                                num_cores=NC, num_subcores=NT),
    compiler_params=pltpu.CompilerParams(use_tc_tiling_on_sc=False),
    scratch_types=[
        pltpu.VMEM_SHARED((AGG_R, H), _f32),
        pltpu.VMEM((NCHUNK, CH), jnp.int32),
        pltpu.VMEM((NCHUNK, CH), jnp.int32),
        pltpu.VMEM((CH, H), _f32),
        pltpu.VMEM((CH, H), _f32),
        pltpu.VMEM((32, H), _f32),
        pltpu.VMEM((RPT, 16), _f32),
        pltpu.VMEM((RC, H), _f32),
        pltpu.VMEM((RC, H), _f32),
        pltpu.VMEM((RC, H), _f32),
        pltpu.SemaphoreType.DMA,
        pltpu.SemaphoreType.DMA,
    ],
)



def _colsum_body(x_ref, o_ref):
    @pl.when(pl.program_id(0) == 0)
    def _():
        o_ref[...] = jnp.zeros_like(o_ref)
    o_ref[...] += jnp.sum(x_ref[...], axis=0, keepdims=True)


def _center_body(x_ref, sum_ref, a_ref, b_ref):
    xc = x_ref[...] - sum_ref[...] * (1.0 / N)
    a_ref[...] = xc[:, :H]
    b_ref[...] = xc[:, H:]


def _matmul_body(v_ref, w_ref, b_ref, o_ref):
    o_ref[...] = (
        jnp.dot(v_ref[...], w_ref[...], preferred_element_type=_f32)
        + b_ref[...]
    )


def kernel(x, edge_index, y, train_mask, weight, bias):
    row = edge_index[0]
    col = edge_index[1]

    pad = NT * EPT - E
    col_t = jnp.pad(col.reshape(NT, E // NT), ((0, 0), (0, pad // NT))
                    ).reshape(NT, NCHUNK, CH)
    row_t = jnp.pad(row.reshape(NT, E // NT), ((0, 0), (0, pad // NT)),
                    constant_values=PAD_ROW).reshape(NT, NCHUNK, CH)
    col_both = jnp.stack([col_t, col_t + NP])

    colsum = pl.pallas_call(
        _colsum_body,
        grid=(10,),
        in_specs=[pl.BlockSpec((N // 10, D), lambda i: (i, 0))],
        out_specs=pl.BlockSpec((1, D), lambda i: (0, 0)),
        out_shape=jax.ShapeDtypeStruct((1, D), _f32),
    )(x)
    xca, xcb = pl.pallas_call(
        _center_body,
        grid=(10,),
        in_specs=[pl.BlockSpec((N // 10, D), lambda i: (i, 0)),
                  pl.BlockSpec((1, D), lambda i: (0, 0))],
        out_specs=[pl.BlockSpec((N // 10, H), lambda i: (i, 0)),
                   pl.BlockSpec((N // 10, H), lambda i: (i, 0))],
        out_shape=[jax.ShapeDtypeStruct((N, H), _f32),
                   jax.ShapeDtypeStruct((N, H), _f32)],
    )(x, colsum)
    zpad = jnp.zeros((NP - N, H), _f32)
    xc_flat = jnp.concatenate([xca, zpad, xcb, zpad], axis=0)

    v_flat = _sc_propagate(xc_flat, col_both, row_t)
    v = jnp.concatenate([v_flat[:N], v_flat[NP:NP + N]], axis=1)

    out = pl.pallas_call(
        _matmul_body,
        grid=(10,),
        in_specs=[pl.BlockSpec((N // 10, D), lambda i: (i, 0)),
                  pl.BlockSpec((D, D), lambda i: (0, 0)),
                  pl.BlockSpec((1, D), lambda i: (0, 0))],
        out_specs=pl.BlockSpec((N // 10, D), lambda i: (i, 0)),
        out_shape=jax.ShapeDtypeStruct((N, D), _f32),
    )(v, weight, bias)
    return out

# --- scband reference (transcript-rebuilt; emitter-appended) ---
"""Pipeline reference for scband-gpcalayer-88476326298061 (READ-ONLY COPY).

The authoritative reference and input builder live on the scoring server;
editing this copy changes nothing except your own understanding.
"""

import jax, jax.numpy as jnp
import numpy as np

N = 10000
E = 320000
D = 128
NOUT = 128
ALPHA = 1.0
N_POWERS = 50
NUM_CLASSES = 40


def setup_inputs(seed: int = 0) -> dict:
    key = jax.random.key(seed)
    k1, k2, k3, k4 = jax.random.split(key, 4)
    x = jax.random.normal(k1, (N, D), dtype=jnp.float32)
    edge_index = jax.random.randint(k2, (2, E), 0, N, dtype=jnp.int32)
    y = jax.random.randint(k3, (N,), 0, NUM_CLASSES, dtype=jnp.int32)
    train_mask = jnp.ones((N,), dtype=bool)
    # xavier_uniform init for weight, zeros for bias (per reset_parameters)
    a = float(np.sqrt(6.0 / (D + NOUT)))
    weight = jax.random.uniform(k4, (D, NOUT), dtype=jnp.float32, minval=-a, maxval=a)
    bias = jnp.zeros((1, NOUT), dtype=jnp.float32)
    return {"x": x, "edge_index": edge_index, "y": y, "train_mask": train_mask, "weight": weight, "bias": bias}


def reference(x, edge_index, y, train_mask, weight, bias):
    n = x.shape[0]
    idx_dtype = edge_index.dtype
    loop = jnp.arange(n, dtype=idx_dtype)
    # set_diag(): append self loops
    row = jnp.concatenate([edge_index[0], loop])
    col = jnp.concatenate([edge_index[1], loop])
    # degree (row sums of adjacency with self loops)
    deg = jax.ops.segment_sum(jnp.ones_like(row, dtype=jnp.float32), row, num_segments=n)
    deg_inv_sqrt = jnp.where(deg > 0, jax.lax.rsqrt(jnp.maximum(deg, 1e-12)), 0.0)
    # mode 'DA': deg_inv_sqrt * deg_inv_sqrt * A  ->  row scale = D^{-1}
    scale = deg_inv_sqrt * deg_inv_sqrt
    # center
    xc = x - x.mean(axis=0)
    # approximate_invphi_x with beta=0: power iteration
    c1 = ALPHA / (1.0 + ALPHA)
    c2 = 1.0 / (1.0 + ALPHA)

    def body(i, v):
        agg = jax.ops.segment_sum(jnp.take(v, col, axis=0), row, num_segments=n)
        return c1 * (scale[:, None] * agg) + c2 * xc

    invphi_x = jax.lax.fori_loop(0, N_POWERS, body, xc)
    return invphi_x @ weight + bias

if __name__ == "__main__":
    import jax
    _d = setup_inputs()
    print(jax.jit(kernel)(*tuple(_d.values())))

</pallas_src>

<mosaic_0001>
#map = affine_map<(d0, d1) -> (0, 0)>
#map1 = affine_map<(d0, d1) -> (0, 0, 0, 0)>
#map2 = affine_map<(d0, d1) -> (0, 0, 0)>
module attributes {stable_mosaic.version = 14 : i64} {
  func.func @_sc_body(%arg0: i32, %arg1: i32, %arg2: memref<20480x64xf32, #tpu.memory_space<hbm>>, %arg3: memref<2x16x158x128xi32, #tpu.memory_space<hbm>>, %arg4: memref<16x158x128xi32, #tpu.memory_space<hbm>>, %arg5: memref<20480x64xf32, #tpu.memory_space<hbm>>, %arg6: memref<10240x64xf32, #tpu.memory_space<vmem_shared>>, %arg7: memref<158x128xi32, #tpu.memory_space<vmem>>, %arg8: memref<158x128xi32, #tpu.memory_space<vmem>>, %arg9: memref<128x64xf32, #tpu.memory_space<vmem>>, %arg10: memref<128x64xf32, #tpu.memory_space<vmem>>, %arg11: memref<32x64xf32, #tpu.memory_space<vmem>>, %arg12: memref<640x16xf32, #tpu.memory_space<vmem>>, %arg13: memref<64x64xf32, #tpu.memory_space<vmem>>, %arg14: memref<64x64xf32, #tpu.memory_space<vmem>>, %arg15: memref<64x64xf32, #tpu.memory_space<vmem>>, %arg16: memref<!tpu.dma_semaphore, #tpu.memory_space<semaphore_mem>>, %arg17: memref<!tpu.dma_semaphore, #tpu.memory_space<semaphore_mem>>) attributes {dimension_semantics = [#tpu.dimension_semantics<core_parallel>, #tpu.dimension_semantics<subcore_parallel>], iteration_bounds = array<i64: 2, 16>, scalar_prefetch = 0 : i64, scratch_operands = 12 : i64, tpu.core_type = #tpu.core_type<sc_vector_subcore>, window_params = [{transform_indices = #map}, {transform_indices = #map1}, {transform_indices = #map2}, {transform_indices = #map}]} {
    %mul3A = arith.constant 10240 : i32
    %mul3A_0 = arith.muli %arg0, %mul3A : i32
    %mul3A_1 = arith.constant 640 : i32
    %mul3A_2 = arith.muli %arg1, %mul3A_1 : i32
    %add3A = arith.addi %mul3A_0, %mul3A_2 : i32
    %mul3A_3 = arith.constant 640 : i32
    %mul3A_4 = arith.muli %arg1, %mul3A_3 : i32
    "tpu.region"() ({
      %run_scoped3A = tpu.sem_alloc : memref<!tpu.dma_semaphore, #tpu.memory_space<semaphore_mem>>
      %dma_start3A = arith.constant 0 : i32
      %dma_start3A_36 = arith.constant 0 : i32
      %dma_start3A_37 = tpu.memref_slice %arg3[%arg0, %arg1, %dma_start3A, %dma_start3A_36] : memref<2x16x158x128xi32, #tpu.memory_space<hbm>> -> memref<1x1x158x128xi32, #tpu.memory_space<hbm>>
      %dma_start3A_38 = tpu.memref_squeeze %dma_start3A_37 : memref<1x1x158x128xi32, #tpu.memory_space<hbm>> -> memref<158x128xi32, #tpu.memory_space<hbm>>
      %dma_start3A_39 = arith.constant 0 : i32
      %dma_start3A_40 = arith.constant 0 : i32
      %dma_start3A_41 = tpu.memref_slice %arg3[%arg0, %arg1, %dma_start3A_39, %dma_start3A_40] : memref<2x16x158x128xi32, #tpu.memory_space<hbm>> -> memref<1x1x158x128xi32, #tpu.memory_space<hbm>>
      %dma_start3A_42 = tpu.memref_squeeze %dma_start3A_41 : memref<1x1x158x128xi32, #tpu.memory_space<hbm>> -> memref<158x128xi32, #tpu.memory_space<hbm>>
      tpu.enqueue_dma source(%dma_start3A_42 : memref<158x128xi32, #tpu.memory_space<hbm>>) target(%arg7 : memref<158x128xi32, #tpu.memory_space<vmem>>) target_semaphore(%run_scoped3A : memref<!tpu.dma_semaphore, #tpu.memory_space<semaphore_mem>>)
      %dma_wait3A = arith.constant 0 : i32
      %dma_wait3A_43 = arith.constant 0 : i32
      %dma_wait3A_44 = tpu.memref_slice %arg3[%arg0, %arg1, %dma_wait3A, %dma_wait3A_43] : memref<2x16x158x128xi32, #tpu.memory_space<hbm>> -> memref<1x1x158x128xi32, #tpu.memory_space<hbm>>
      %dma_wait3A_45 = tpu.memref_squeeze %dma_wait3A_44 : memref<1x1x158x128xi32, #tpu.memory_space<hbm>> -> memref<158x128xi32, #tpu.memory_space<hbm>>
      %dma_wait3A_46 = arith.constant 0 : i32
      %dma_wait3A_47 = arith.constant 0 : i32
      %dma_wait3A_48 = tpu.memref_slice %arg3[%arg0, %arg1, %dma_wait3A_46, %dma_wait3A_47] : memref<2x16x158x128xi32, #tpu.memory_space<hbm>> -> memref<1x1x158x128xi32, #tpu.memory_space<hbm>>
      %dma_wait3A_49 = tpu.memref_squeeze %dma_wait3A_48 : memref<1x1x158x128xi32, #tpu.memory_space<hbm>> -> memref<158x128xi32, #tpu.memory_space<hbm>>
      tpu.wait_dma2 semaphore(%run_scoped3A : memref<!tpu.dma_semaphore, #tpu.memory_space<semaphore_mem>>) src(%dma_wait3A_49 : memref<158x128xi32, #tpu.memory_space<hbm>>) dst(%arg7 : memref<158x128xi32, #tpu.memory_space<vmem>>)
      tpu.yield
    }) : () -> ()
    "tpu.region"() ({
      %run_scoped3A = tpu.sem_alloc : memref<!tpu.dma_semaphore, #tpu.memory_space<semaphore_mem>>
      %dma_start3A = arith.constant 0 : i32
      %dma_start3A_36 = arith.constant 0 : i32
      %dma_start3A_37 = tpu.memref_slice %arg4[%arg1, %dma_start3A, %dma_start3A_36] : memref<16x158x128xi32, #tpu.memory_space<hbm>> -> memref<1x158x128xi32, #tpu.memory_space<hbm>>
      %dma_start3A_38 = tpu.memref_squeeze %dma_start3A_37 : memref<1x158x128xi32, #tpu.memory_space<hbm>> -> memref<158x128xi32, #tpu.memory_space<hbm>>
      %dma_start3A_39 = arith.constant 0 : i32
      %dma_start3A_40 = arith.constant 0 : i32
      %dma_start3A_41 = tpu.memref_slice %arg4[%arg1, %dma_start3A_39, %dma_start3A_40] : memref<16x158x128xi32, #tpu.memory_space<hbm>> -> memref<1x158x128xi32, #tpu.memory_space<hbm>>
      %dma_start3A_42 = tpu.memref_squeeze %dma_start3A_41 : memref<1x158x128xi32, #tpu.memory_space<hbm>> -> memref<158x128xi32, #tpu.memory_space<hbm>>
      tpu.enqueue_dma source(%dma_start3A_42 : memref<158x128xi32, #tpu.memory_space<hbm>>) target(%arg8 : memref<158x128xi32, #tpu.memory_space<vmem>>) target_semaphore(%run_scoped3A : memref<!tpu.dma_semaphore, #tpu.memory_space<semaphore_mem>>)
      %dma_wait3A = arith.constant 0 : i32
      %dma_wait3A_43 = arith.constant 0 : i32
      %dma_wait3A_44 = tpu.memref_slice %arg4[%arg1, %dma_wait3A, %dma_wait3A_43] : memref<16x158x128xi32, #tpu.memory_space<hbm>> -> memref<1x158x128xi32, #tpu.memory_space<hbm>>
      %dma_wait3A_45 = tpu.memref_squeeze %dma_wait3A_44 : memref<1x158x128xi32, #tpu.memory_space<hbm>> -> memref<158x128xi32, #tpu.memory_space<hbm>>
      %dma_wait3A_46 = arith.constant 0 : i32
      %dma_wait3A_47 = arith.constant 0 : i32
      %dma_wait3A_48 = tpu.memref_slice %arg4[%arg1, %dma_wait3A_46, %dma_wait3A_47] : memref<16x158x128xi32, #tpu.memory_space<hbm>> -> memref<1x158x128xi32, #tpu.memory_space<hbm>>
      %dma_wait3A_49 = tpu.memref_squeeze %dma_wait3A_48 : memref<1x158x128xi32, #tpu.memory_space<hbm>> -> memref<158x128xi32, #tpu.memory_space<hbm>>
      tpu.wait_dma2 semaphore(%run_scoped3A : memref<!tpu.dma_semaphore, #tpu.memory_space<semaphore_mem>>) src(%dma_wait3A_49 : memref<158x128xi32, #tpu.memory_space<hbm>>) dst(%arg8 : memref<158x128xi32, #tpu.memory_space<vmem>>)
      tpu.yield
    }) : () -> ()
    %scan3A = arith.constant 0 : i32
    %scan3A_5 = arith.constant 32 : i32
    %scan3A_6 = arith.addi %scan3A, %scan3A_5 : i32
    %scan3A_7 = arith.constant 1 : i32
    scf.for %scan3A_36 = %scan3A to %scan3A_6 step %scan3A_7  : i32 {
      %mul3A_37 = arith.constant 1 : i32
      %mul3A_38 = arith.muli %scan3A_36, %mul3A_37 : i32
      %add3A_39 = arith.constant 0 : i32
      %add3A_40 = arith.addi %add3A_39, %mul3A_38 : i32
      %broadcast_in_dim3A = arith.constant 0.000000e+00 : f32
      %broadcast_in_dim3A_41 = vector.broadcast %broadcast_in_dim3A : f32 to vector<16xf32>
      %swap3A = arith.index_cast %add3A_40 : i32 to index
      %swap3A_42 = arith.constant 0 : index
      %swap3A_43 = tpu.vector_load %arg11[%swap3A, %swap3A_42] {strides = array<i32>} : memref<32x64xf32, #tpu.memory_space<vmem>>, vector<1x16xf32>,
      %swap3A_44 = vector.shape_cast %swap3A_43 : vector<1x16xf32> to vector<16xf32>
      %swap3A_45 = vector.shape_cast %broadcast_in_dim3A_41 : vector<16xf32> to vector<1x16xf32>
      tpu.vector_store %arg11[%swap3A, %swap3A_42], %swap3A_45 {strides = array<i32>} : memref<32x64xf32, #tpu.memory_space<vmem>>, vector<1x16xf32>,
      %broadcast_in_dim3A_46 = arith.constant 0.000000e+00 : f32
      %broadcast_in_dim3A_47 = vector.broadcast %broadcast_in_dim3A_46 : f32 to vector<16xf32>
      %swap3A_48 = arith.index_cast %add3A_40 : i32 to index
      %swap3A_49 = arith.constant 16 : index
      %swap3A_50 = tpu.vector_load %arg11[%swap3A_48, %swap3A_49] {strides = array<i32>} : memref<32x64xf32, #tpu.memory_space<vmem>>, vector<1x16xf32>,
      %swap3A_51 = vector.shape_cast %swap3A_50 : vector<1x16xf32> to vector<16xf32>
      %swap3A_52 = vector.shape_cast %broadcast_in_dim3A_47 : vector<16xf32> to vector<1x16xf32>
      tpu.vector_store %arg11[%swap3A_48, %swap3A_49], %swap3A_52 {strides = array<i32>} : memref<32x64xf32, #tpu.memory_space<vmem>>, vector<1x16xf32>,
      %broadcast_in_dim3A_53 = arith.constant 0.000000e+00 : f32
      %broadcast_in_dim3A_54 = vector.broadcast %broadcast_in_dim3A_53 : f32 to vector<16xf32>
      %swap3A_55 = arith.index_cast %add3A_40 : i32 to index
      %swap3A_56 = arith.constant 32 : index
      %swap3A_57 = tpu.vector_load %arg11[%swap3A_55, %swap3A_56] {strides = array<i32>} : memref<32x64xf32, #tpu.memory_space<vmem>>, vector<1x16xf32>,
      %swap3A_58 = vector.shape_cast %swap3A_57 : vector<1x16xf32> to vector<16xf32>
      %swap3A_59 = vector.shape_cast %broadcast_in_dim3A_54 : vector<16xf32> to vector<1x16xf32>
      tpu.vector_store %arg11[%swap3A_55, %swap3A_56], %swap3A_59 {strides = array<i32>} : memref<32x64xf32, #tpu.memory_space<vmem>>, vector<1x16xf32>,
      %broadcast_in_dim3A_60 = arith.constant 0.000000e+00 : f32
      %broadcast_in_dim3A_61 = vector.broadcast %broadcast_in_dim3A_60 : f32 to vector<16xf32>
      %swap3A_62 = arith.index_cast %add3A_40 : i32 to index
      %swap3A_63 = arith.constant 48 : index
      %swap3A_64 = tpu.vector_load %arg11[%swap3A_62, %swap3A_63] {strides = array<i32>} : memref<32x64xf32, #tpu.memory_space<vmem>>, vector<1x16xf32>,
      %swap3A_65 = vector.shape_cast %swap3A_64 : vector<1x16xf32> to vector<16xf32>
      %swap3A_66 = vector.shape_cast %broadcast_in_dim3A_61 : vector<16xf32> to vector<1x16xf32>
      tpu.vector_store %arg11[%swap3A_62, %swap3A_63], %swap3A_66 {strides = array<i32>} : memref<32x64xf32, #tpu.memory_space<vmem>>, vector<1x16xf32>,
    }
    %scan3A_8 = arith.constant 32 : i32
    %scan3A_9 = arith.constant 0 : i32
    %scan3A_10 = arith.constant 128 : i32
    %scan3A_11 = arith.addi %scan3A_9, %scan3A_10 : i32
    %scan3A_12 = arith.constant 1 : i32
    scf.for %scan3A_36 = %scan3A_9 to %scan3A_11 step %scan3A_12  : i32 {
      %mul3A_37 = arith.constant 1 : i32
      %mul3A_38 = arith.muli %scan3A_36, %mul3A_37 : i32
      %add3A_39 = arith.constant 0 : i32
      %add3A_40 = arith.addi %add3A_39, %mul3A_38 : i32
      %broadcast_in_dim3A = arith.constant 1.000000e+00 : f32
      %broadcast_in_dim3A_41 = vector.broadcast %broadcast_in_dim3A : f32 to vector<16xf32>
      %swap3A = arith.index_cast %add3A_40 : i32 to index
      %swap3A_42 = arith.constant 0 : index
      %swap3A_43 = tpu.vector_load %arg9[%swap3A, %swap3A_42] {strides = array<i32>} : memref<128x64xf32, #tpu.memory_space<vmem>>, vector<1x16xf32>,
      %swap3A_44 = vector.shape_cast %swap3A_43 : vector<1x16xf32> to vector<16xf32>
      %swap3A_45 = vector.shape_cast %broadcast_in_dim3A_41 : vector<16xf32> to vector<1x16xf32>
      tpu.vector_store %arg9[%swap3A, %swap3A_42], %swap3A_45 {strides = array<i32>} : memref<128x64xf32, #tpu.memory_space<vmem>>, vector<1x16xf32>,
      %broadcast_in_dim3A_46 = arith.constant 1.000000e+00 : f32
      %broadcast_in_dim3A_47 = vector.broadcast %broadcast_in_dim3A_46 : f32 to vector<16xf32>
      %swap3A_48 = arith.index_cast %add3A_40 : i32 to index
      %swap3A_49 = arith.constant 16 : index
      %swap3A_50 = tpu.vector_load %arg9[%swap3A_48, %swap3A_49] {strides = array<i32>} : memref<128x64xf32, #tpu.memory_space<vmem>>, vector<1x16xf32>,
      %swap3A_51 = vector.shape_cast %swap3A_50 : vector<1x16xf32> to vector<16xf32>
      %swap3A_52 = vector.shape_cast %broadcast_in_dim3A_47 : vector<16xf32> to vector<1x16xf32>
      tpu.vector_store %arg9[%swap3A_48, %swap3A_49], %swap3A_52 {strides = array<i32>} : memref<128x64xf32, #tpu.memory_space<vmem>>, vector<1x16xf32>,
      %broadcast_in_dim3A_53 = arith.constant 1.000000e+00 : f32
      %broadcast_in_dim3A_54 = vector.broadcast %broadcast_in_dim3A_53 : f32 to vector<16xf32>
      %swap3A_55 = arith.index_cast %add3A_40 : i32 to index
      %swap3A_56 = arith.constant 32 : index
      %swap3A_57 = tpu.vector_load %arg9[%swap3A_55, %swap3A_56] {strides = array<i32>} : memref<128x64xf32, #tpu.memory_space<vmem>>, vector<1x16xf32>,
      %swap3A_58 = vector.shape_cast %swap3A_57 : vector<1x16xf32> to vector<16xf32>
      %swap3A_59 = vector.shape_cast %broadcast_in_dim3A_54 : vector<16xf32> to vector<1x16xf32>
      tpu.vector_store %arg9[%swap3A_55, %swap3A_56], %swap3A_59 {strides = array<i32>} : memref<128x64xf32, #tpu.memory_space<vmem>>, vector<1x16xf32>,
      %broadcast_in_dim3A_60 = arith.constant 1.000000e+00 : f32
      %broadcast_in_dim3A_61 = vector.broadcast %broadcast_in_dim3A_60 : f32 to vector<16xf32>
      %swap3A_62 = arith.index_cast %add3A_40 : i32 to index
      %swap3A_63 = arith.constant 48 : index
      %swap3A_64 = tpu.vector_load %arg9[%swap3A_62, %swap3A_63] {strides = array<i32>} : memref<128x64xf32, #tpu.memory_space<vmem>>, vector<1x16xf32>,
      %swap3A_65 = vector.shape_cast %swap3A_64 : vector<1x16xf32> to vector<16xf32>
      %swap3A_66 = vector.shape_cast %broadcast_in_dim3A_61 : vector<16xf32> to vector<1x16xf32>
      tpu.vector_store %arg9[%swap3A_62, %swap3A_63], %swap3A_66 {strides = array<i32>} : memref<128x64xf32, #tpu.memory_space<vmem>>, vector<1x16xf32>,
    }
    %scan3A_13 = arith.constant 128 : i32
    %scan3A_14 = arith.constant 0 : i32
    %scan3A_15 = arith.constant 20 : i32
    %scan3A_16 = arith.addi %scan3A_14, %scan3A_15 : i32
    %scan3A_17 = arith.constant 1 : i32
    scf.for %scan3A_36 = %scan3A_14 to %scan3A_16 step %scan3A_17  : i32 {
      %mul3A_37 = arith.constant 1 : i32
      %mul3A_38 = arith.muli %scan3A_36, %mul3A_37 : i32
      %add3A_39 = arith.constant 0 : i32
      %add3A_40 = arith.addi %add3A_39, %mul3A_38 : i32
      %mul3A_41 = arith.constant 32 : i32
      %mul3A_42 = arith.muli %add3A_40, %mul3A_41 : i32
      %add3A_43 = arith.addi %mul3A_4, %mul3A_42 : i32
      "tpu.region"() ({
        %run_scoped3A = tpu.sem_alloc : memref<!tpu.dma_semaphore, #tpu.memory_space<semaphore_mem>>
        %dma_start3A = arith.constant 0 : i32
        %dma_start3A_44 = tpu.memref_slice %arg6[%add3A_43, %dma_start3A] : memref<10240x64xf32, #tpu.memory_space<vmem_shared>> -> memref<32x64xf32, #tpu.memory_space<vmem_shared>>
        %dma_start3A_45 = arith.constant 0 : i32
        %dma_start3A_46 = tpu.memref_slice %arg6[%add3A_43, %dma_start3A_45] : memref<10240x64xf32, #tpu.memory_space<vmem_shared>> -> memref<32x64xf32, #tpu.memory_space<vmem_shared>>
        tpu.enqueue_dma source(%arg11 : memref<32x64xf32, #tpu.memory_space<vmem>>) target(%dma_start3A_46 : memref<32x64xf32, #tpu.memory_space<vmem_shared>>) target_semaphore(%run_scoped3A : memref<!tpu.dma_semaphore, #tpu.memory_space<semaphore_mem>>)
        %dma_wait3A = arith.constant 0 : i32
        %dma_wait3A_47 = tpu.memref_slice %arg6[%add3A_43, %dma_wait3A] : memref<10240x64xf32, #tpu.memory_space<vmem_shared>> -> memref<32x64xf32, #tpu.memory_space<vmem_shared>>
        %dma_wait3A_48 = arith.constant 0 : i32
        %dma_wait3A_49 = tpu.memref_slice %arg6[%add3A_43, %dma_wait3A_48] : memref<10240x64xf32, #tpu.memory_space<vmem_shared>> -> memref<32x64xf32, #tpu.memory_space<vmem_shared>>
        tpu.wait_dma2 semaphore(%run_scoped3A : memref<!tpu.dma_semaphore, #tpu.memory_space<semaphore_mem>>) src(%arg11 : memref<32x64xf32, #tpu.memory_space<vmem>>) dst(%dma_wait3A_49 : memref<32x64xf32, #tpu.memory_space<vmem_shared>>)
        tpu.yield
      }) : () -> ()
    }
    %scan3A_18 = arith.constant 20 : i32
    %barrier3A = arith.constant 0 : index
    tpu.barrier barrier_id(%barrier3A)
    %scan3A_19 = arith.constant 0 : i32
    %scan3A_20 = arith.constant 158 : i32
    %scan3A_21 = arith.addi %scan3A_19, %scan3A_20 : i32
    %scan3A_22 = arith.constant 1 : i32
    scf.for %scan3A_36 = %scan3A_19 to %scan3A_21 step %scan3A_22  : i32 {
      %mul3A_37 = arith.constant 1 : i32
      %mul3A_38 = arith.muli %scan3A_36, %mul3A_37 : i32
      %add3A_39 = arith.constant 0 : i32
      %add3A_40 = arith.addi %add3A_39, %mul3A_38 : i32
      "tpu.region"() ({
        %run_scoped3A = tpu.sem_alloc : memref<!tpu.dma_semaphore, #tpu.memory_space<semaphore_mem>>
        %dma_start3A = arith.constant 0 : i32
        %dma_start3A_41 = tpu.memref_slice %arg8[%add3A_40, %dma_start3A] : memref<158x128xi32, #tpu.memory_space<vmem>> -> memref<1x128xi32, #tpu.memory_space<vmem>>
        %dma_start3A_42 = tpu.memref_squeeze %dma_start3A_41 : memref<1x128xi32, #tpu.memory_space<vmem>> -> memref<128xi32, #tpu.memory_space<vmem>>
        %dma_start3A_43 = arith.constant 0 : i32
        %dma_start3A_44 = arith.constant 0 : i32
        %dma_start3A_45 = tpu.memref_slice %arg6[%dma_start3A_43, %dma_start3A_44] : memref<10240x64xf32, #tpu.memory_space<vmem_shared>> -> memref<10240x64xf32, #tpu.memory_space<vmem_shared>>
        tpu.enqueue_indirect_dma source(%arg9 : memref<128x64xf32, #tpu.memory_space<vmem>>) target(%dma_start3A_45 : memref<10240x64xf32, #tpu.memory_space<vmem_shared>>) offsets(%dma_start3A_42 : memref<128xi32, #tpu.memory_space<vmem>>) semaphore(%run_scoped3A : memref<!tpu.dma_semaphore, #tpu.memory_space<semaphore_mem>>) {add = true}
        %dma_wait3A = arith.constant 0 : i32
        %dma_wait3A_46 = tpu.memref_slice %arg8[%add3A_40, %dma_wait3A] : memref<158x128xi32, #tpu.memory_space<vmem>> -> memref<1x128xi32, #tpu.memory_space<vmem>>
        %dma_wait3A_47 = tpu.memref_squeeze %dma_wait3A_46 : memref<1x128xi32, #tpu.memory_space<vmem>> -> memref<128xi32, #tpu.memory_space<vmem>>
        %dma_wait3A_48 = arith.constant 0 : i32
        %dma_wait3A_49 = arith.constant 0 : i32
        %dma_wait3A_50 = tpu.memref_slice %arg6[%dma_wait3A_48, %dma_wait3A_49] : memref<10240x64xf32, #tpu.memory_space<vmem_shared>> -> memref<10240x64xf32, #tpu.memory_space<vmem_shared>>
        tpu.wait_indirect_dma semaphore(%run_scoped3A : memref<!tpu.dma_semaphore, #tpu.memory_space<semaphore_mem>>) src(%arg9 : memref<128x64xf32, #tpu.memory_space<vmem>>) dst(%dma_wait3A_50 : memref<10240x64xf32, #tpu.memory_space<vmem_shared>>)
        tpu.yield
      }) : () -> ()
    }
    %scan3A_23 = arith.constant 158 : i32
    %barrier3A_24 = arith.constant 0 : index
    tpu.barrier barrier_id(%barrier3A_24)
    %scan3A_25 = arith.constant 0 : i32
    %scan3A_26 = arith.constant 10 : i32
    %scan3A_27 = arith.addi %scan3A_25, %scan3A_26 : i32
    %scan3A_28 = arith.constant 1 : i32
    scf.for %scan3A_36 = %scan3A_25 to %scan3A_27 step %scan3A_28  : i32 {
      %mul3A_37 = arith.constant 1 : i32
      %mul3A_38 = arith.muli %scan3A_36, %mul3A_37 : i32
      %add3A_39 = arith.constant 0 : i32
      %add3A_40 = arith.addi %add3A_39, %mul3A_38 : i32
      %mul3A_41 = arith.constant 64 : i32
      %mul3A_42 = arith.muli %add3A_40, %mul3A_41 : i32
      %add3A_43 = arith.addi %mul3A_4, %mul3A_42 : i32
      "tpu.region"() ({
        %run_scoped3A = tpu.sem_alloc : memref<!tpu.dma_semaphore, #tpu.memory_space<semaphore_mem>>
        %dma_start3A = arith.constant 0 : i32
        %dma_start3A_63 = tpu.memref_slice %arg6[%add3A_43, %dma_start3A] : memref<10240x64xf32, #tpu.memory_space<vmem_shared>> -> memref<64x64xf32, #tpu.memory_space<vmem_shared>>
        %dma_start3A_64 = arith.constant 0 : i32
        %dma_start3A_65 = tpu.memref_slice %arg6[%add3A_43, %dma_start3A_64] : memref<10240x64xf32, #tpu.memory_space<vmem_shared>> -> memref<64x64xf32, #tpu.memory_space<vmem_shared>>
        tpu.enqueue_dma source(%dma_start3A_65 : memref<64x64xf32, #tpu.memory_space<vmem_shared>>) target(%arg13 : memref<64x64xf32, #tpu.memory_space<vmem>>) target_semaphore(%run_scoped3A : memref<!tpu.dma_semaphore, #tpu.memory_space<semaphore_mem>>)
        %dma_wait3A = arith.constant 0 : i32
        %dma_wait3A_66 = tpu.memref_slice %arg6[%add3A_43, %dma_wait3A] : memref<10240x64xf32, #tpu.memory_space<vmem_shared>> -> memref<64x64xf32, #tpu.memory_space<vmem_shared>>
        %dma_wait3A_67 = arith.constant 0 : i32
        %dma_wait3A_68 = tpu.memref_slice %arg6[%add3A_43, %dma_wait3A_67] : memref<10240x64xf32, #tpu.memory_space<vmem_shared>> -> memref<64x64xf32, #tpu.memory_space<vmem_shared>>
        tpu.wait_dma2 semaphore(%run_scoped3A : memref<!tpu.dma_semaphore, #tpu.memory_space<semaphore_mem>>) src(%dma_wait3A_68 : memref<64x64xf32, #tpu.memory_space<vmem_shared>>) dst(%arg13 : memref<64x64xf32, #tpu.memory_space<vmem>>)
        tpu.yield
      }) : () -> ()
      %mul3A_44 = arith.constant 64 : i32
      %mul3A_45 = arith.muli %add3A_40, %mul3A_44 : i32
      %add3A_46 = arith.addi %mul3A_4, %mul3A_45 : i32
      "tpu.region"() ({
        %run_scoped3A = tpu.sem_alloc : memref<!tpu.dma_semaphore, #tpu.memory_space<semaphore_mem>>
        %dma_start3A = arith.constant 0 : i32
        %dma_start3A_63 = tpu.memref_slice %arg6[%add3A_46, %dma_start3A] : memref<10240x64xf32, #tpu.memory_space<vmem_shared>> -> memref<32x64xf32, #tpu.memory_space<vmem_shared>>
        %dma_start3A_64 = arith.constant 0 : i32
        %dma_start3A_65 = tpu.memref_slice %arg6[%add3A_46, %dma_start3A_64] : memref<10240x64xf32, #tpu.memory_space<vmem_shared>> -> memref<32x64xf32, #tpu.memory_space<vmem_shared>>
        tpu.enqueue_dma source(%arg11 : memref<32x64xf32, #tpu.memory_space<vmem>>) target(%dma_start3A_65 : memref<32x64xf32, #tpu.memory_space<vmem_shared>>) target_semaphore(%run_scoped3A : memref<!tpu.dma_semaphore, #tpu.memory_space<semaphore_mem>>)
        %dma_wait3A = arith.constant 0 : i32
        %dma_wait3A_66 = tpu.memref_slice %arg6[%add3A_46, %dma_wait3A] : memref<10240x64xf32, #tpu.memory_space<vmem_shared>> -> memref<32x64xf32, #tpu.memory_space<vmem_shared>>
        %dma_wait3A_67 = arith.constant 0 : i32
        %dma_wait3A_68 = tpu.memref_slice %arg6[%add3A_46, %dma_wait3A_67] : memref<10240x64xf32, #tpu.memory_space<vmem_shared>> -> memref<32x64xf32, #tpu.memory_space<vmem_shared>>
        tpu.wait_dma2 semaphore(%run_scoped3A : memref<!tpu.dma_semaphore, #tpu.memory_space<semaphore_mem>>) src(%arg11 : memref<32x64xf32, #tpu.memory_space<vmem>>) dst(%dma_wait3A_68 : memref<32x64xf32, #tpu.memory_space<vmem_shared>>)
        tpu.yield
      }) : () -> ()
      %mul3A_47 = arith.constant 64 : i32
      %mul3A_48 = arith.muli %add3A_40, %mul3A_47 : i32
      %add3A_49 = arith.addi %mul3A_4, %mul3A_48 : i32
      %add3A_50 = arith.constant 32 : i32
      %add3A_51 = arith.addi %add3A_49, %add3A_50 : i32
      "tpu.region"() ({
        %run_scoped3A = tpu.sem_alloc : memref<!tpu.dma_semaphore, #tpu.memory_space<semaphore_mem>>
        %dma_start3A = arith.constant 0 : i32
        %dma_start3A_63 = tpu.memref_slice %arg6[%add3A_51, %dma_start3A] : memref<10240x64xf32, #tpu.memory_space<vmem_shared>> -> memref<32x64xf32, #tpu.memory_space<vmem_shared>>
        %dma_start3A_64 = arith.constant 0 : i32
        %dma_start3A_65 = tpu.memref_slice %arg6[%add3A_51, %dma_start3A_64] : memref<10240x64xf32, #tpu.memory_space<vmem_shared>> -> memref<32x64xf32, #tpu.memory_space<vmem_shared>>
        tpu.enqueue_dma source(%arg11 : memref<32x64xf32, #tpu.memory_space<vmem>>) target(%dma_start3A_65 : memref<32x64xf32, #tpu.memory_space<vmem_shared>>) target_semaphore(%run_scoped3A : memref<!tpu.dma_semaphore, #tpu.memory_space<semaphore_mem>>)
        %dma_wait3A = arith.constant 0 : i32
        %dma_wait3A_66 = tpu.memref_slice %arg6[%add3A_51, %dma_wait3A] : memref<10240x64xf32, #tpu.memory_space<vmem_shared>> -> memref<32x64xf32, #tpu.memory_space<vmem_shared>>
        %dma_wait3A_67 = arith.constant 0 : i32
        %dma_wait3A_68 = tpu.memref_slice %arg6[%add3A_51, %dma_wait3A_67] : memref<10240x64xf32, #tpu.memory_space<vmem_shared>> -> memref<32x64xf32, #tpu.memory_space<vmem_shared>>
        tpu.wait_dma2 semaphore(%run_scoped3A : memref<!tpu.dma_semaphore, #tpu.memory_space<semaphore_mem>>) src(%arg11 : memref<32x64xf32, #tpu.memory_space<vmem>>) dst(%dma_wait3A_68 : memref<32x64xf32, #tpu.memory_space<vmem_shared>>)
        tpu.yield
      }) : () -> ()
      %scan3A_52 = arith.constant 0 : i32
      %scan3A_53 = arith.constant 64 : i32
      %scan3A_54 = arith.addi %scan3A_52, %scan3A_53 : i32
      %scan3A_55 = arith.constant 1 : i32
      scf.for %scan3A_63 = %scan3A_52 to %scan3A_54 step %scan3A_55  : i32 {
        %mul3A_64 = arith.constant 1 : i32
        %mul3A_65 = arith.muli %scan3A_63, %mul3A_64 : i32
        %add3A_66 = arith.constant 0 : i32
        %add3A_67 = arith.addi %add3A_66, %mul3A_65 : i32
        %get3A = arith.index_cast %add3A_67 : i32 to index
        %get3A_68 = arith.constant 0 : index
        %get3A_69 = tpu.vector_load %arg13[%get3A, %get3A_68] {strides = array<i32>} : memref<64x64xf32, #tpu.memory_space<vmem>>, vector<1x16xf32>,
        %get3A_70 = vector.shape_cast %get3A_69 : vector<1x16xf32> to vector<16xf32>
        %add3A_71 = arith.constant 1.000000e+00 : f32
        %add3A_72 = vector.broadcast %add3A_71 : f32 to vector<16xf32>
        %add3A_73 = arith.addf %get3A_70, %add3A_72 : vector<16xf32>
        %div3A = arith.constant 1.000000e+00 : f32
        %div3A_74 = vector.broadcast %div3A : f32 to vector<16xf32>
        %div3A_75 = arith.divf %div3A_74, %add3A_73 : vector<16xf32>
        %mul3A_76 = arith.constant 64 : i32
        %mul3A_77 = arith.muli %add3A_40, %mul3A_76 : i32
        %add3A_78 = arith.addi %mul3A_77, %add3A_67 : i32
        %swap3A = arith.index_cast %add3A_78 : i32 to index
        %swap3A_79 = arith.constant 0 : index
        %swap3A_80 = tpu.vector_load %arg12[%swap3A, %swap3A_79] {strides = array<i32>} : memref<640x16xf32, #tpu.memory_space<vmem>>, vector<1x16xf32>,
        %swap3A_81 = vector.shape_cast %swap3A_80 : vector<1x16xf32> to vector<16xf32>
        %swap3A_82 = vector.shape_cast %div3A_75 : vector<16xf32> to vector<1x16xf32>
        tpu.vector_store %arg12[%swap3A, %swap3A_79], %swap3A_82 {strides = array<i32>} : memref<640x16xf32, #tpu.memory_space<vmem>>, vector<1x16xf32>,
      }
      %scan3A_56 = arith.constant 64 : i32
      %mul3A_57 = arith.constant 64 : i32
      %mul3A_58 = arith.muli %add3A_40, %mul3A_57 : i32
      %add3A_59 = arith.addi %add3A, %mul3A_58 : i32
      "tpu.region"() ({
        %run_scoped3A = tpu.sem_alloc : memref<!tpu.dma_semaphore, #tpu.memory_space<semaphore_mem>>
        %dma_start3A = arith.constant 0 : i32
        %dma_start3A_63 = tpu.memref_slice %arg2[%add3A_59, %dma_start3A] : memref<20480x64xf32, #tpu.memory_space<hbm>> -> memref<64x64xf32, #tpu.memory_space<hbm>>
        %dma_start3A_64 = arith.constant 0 : i32
        %dma_start3A_65 = tpu.memref_slice %arg2[%add3A_59, %dma_start3A_64] : memref<20480x64xf32, #tpu.memory_space<hbm>> -> memref<64x64xf32, #tpu.memory_space<hbm>>
        tpu.enqueue_dma source(%dma_start3A_65 : memref<64x64xf32, #tpu.memory_space<hbm>>) target(%arg15 : memref<64x64xf32, #tpu.memory_space<vmem>>) target_semaphore(%run_scoped3A : memref<!tpu.dma_semaphore, #tpu.memory_space<semaphore_mem>>)
        %dma_wait3A = arith.constant 0 : i32
        %dma_wait3A_66 = tpu.memref_slice %arg2[%add3A_59, %dma_wait3A] : memref<20480x64xf32, #tpu.memory_space<hbm>> -> memref<64x64xf32, #tpu.memory_space<hbm>>
        %dma_wait3A_67 = arith.constant 0 : i32
        %dma_wait3A_68 = tpu.memref_slice %arg2[%add3A_59, %dma_wait3A_67] : memref<20480x64xf32, #tpu.memory_space<hbm>> -> memref<64x64xf32, #tpu.memory_space<hbm>>
        tpu.wait_dma2 semaphore(%run_scoped3A : memref<!tpu.dma_semaphore, #tpu.memory_space<semaphore_mem>>) src(%dma_wait3A_68 : memref<64x64xf32, #tpu.memory_space<hbm>>) dst(%arg15 : memref<64x64xf32, #tpu.memory_space<vmem>>)
        tpu.yield
      }) : () -> ()
      %mul3A_60 = arith.constant 64 : i32
      %mul3A_61 = arith.muli %add3A_40, %mul3A_60 : i32
      %add3A_62 = arith.addi %add3A, %mul3A_61 : i32
      "tpu.region"() ({
        %run_scoped3A = tpu.sem_alloc : memref<!tpu.dma_semaphore, #tpu.memory_space<semaphore_mem>>
        %dma_start3A = arith.constant 0 : i32
        %dma_start3A_63 = tpu.memref_slice %arg5[%add3A_62, %dma_start3A] : memref<20480x64xf32, #tpu.memory_space<hbm>> -> memref<64x64xf32, #tpu.memory_space<hbm>>
        %dma_start3A_64 = arith.constant 0 : i32
        %dma_start3A_65 = tpu.memref_slice %arg5[%add3A_62, %dma_start3A_64] : memref<20480x64xf32, #tpu.memory_space<hbm>> -> memref<64x64xf32, #tpu.memory_space<hbm>>
        tpu.enqueue_dma source(%arg15 : memref<64x64xf32, #tpu.memory_space<vmem>>) target(%dma_start3A_65 : memref<64x64xf32, #tpu.memory_space<hbm>>) target_semaphore(%run_scoped3A : memref<!tpu.dma_semaphore, #tpu.memory_space<semaphore_mem>>)
        %dma_wait3A = arith.constant 0 : i32
        %dma_wait3A_66 = tpu.memref_slice %arg5[%add3A_62, %dma_wait3A] : memref<20480x64xf32, #tpu.memory_space<hbm>> -> memref<64x64xf32, #tpu.memory_space<hbm>>
        %dma_wait3A_67 = arith.constant 0 : i32
        %dma_wait3A_68 = tpu.memref_slice %arg5[%add3A_62, %dma_wait3A_67] : memref<20480x64xf32, #tpu.memory_space<hbm>> -> memref<64x64xf32, #tpu.memory_space<hbm>>
        tpu.wait_dma2 semaphore(%run_scoped3A : memref<!tpu.dma_semaphore, #tpu.memory_space<semaphore_mem>>) src(%arg15 : memref<64x64xf32, #tpu.memory_space<vmem>>) dst(%dma_wait3A_68 : memref<64x64xf32, #tpu.memory_space<hbm>>)
        tpu.yield
      }) : () -> ()
    }
    %scan3A_29 = arith.constant 10 : i32
    %barrier3A_30 = arith.constant 0 : index
    tpu.barrier barrier_id(%barrier3A_30)
    %scan3A_31 = arith.constant 0 : i32
    %scan3A_32 = arith.constant 50 : i32
    %scan3A_33 = arith.addi %scan3A_31, %scan3A_32 : i32
    %scan3A_34 = arith.constant 1 : i32
    scf.for %scan3A_36 = %scan3A_31 to %scan3A_33 step %scan3A_34  : i32 {
      %mul3A_37 = arith.constant 1 : i32
      %mul3A_38 = arith.muli %scan3A_36, %mul3A_37 : i32
      %add3A_39 = arith.constant 0 : i32
      %add3A_40 = arith.addi %add3A_39, %mul3A_38 : i32
      %dma_start3A = arith.constant 0 : i32
      %dma_start3A_41 = arith.constant 0 : i32
      %dma_start3A_42 = tpu.memref_slice %arg7[%dma_start3A, %dma_start3A_41] : memref<158x128xi32, #tpu.memory_space<vmem>> -> memref<1x128xi32, #tpu.memory_space<vmem>>
      %dma_start3A_43 = tpu.memref_squeeze %dma_start3A_42 : memref<1x128xi32, #tpu.memory_space<vmem>> -> memref<128xi32, #tpu.memory_space<vmem>>
      %dma_start3A_44 = arith.constant 0 : i32
      %dma_start3A_45 = arith.constant 0 : i32
      %dma_start3A_46 = tpu.memref_slice %arg5[%dma_start3A_44, %dma_start3A_45] : memref<20480x64xf32, #tpu.memory_space<hbm>> -> memref<20480x64xf32, #tpu.memory_space<hbm>>
      tpu.enqueue_indirect_dma source(%dma_start3A_46 : memref<20480x64xf32, #tpu.memory_space<hbm>>) target(%arg9 : memref<128x64xf32, #tpu.memory_space<vmem>>) offsets(%dma_start3A_43 : memref<128xi32, #tpu.memory_space<vmem>>) semaphore(%arg16 : memref<!tpu.dma_semaphore, #tpu.memory_space<semaphore_mem>>)
      %dma_start3A_47 = arith.constant 1 : i32
      %dma_start3A_48 = arith.constant 0 : i32
      %dma_start3A_49 = tpu.memref_slice %arg7[%dma_start3A_47, %dma_start3A_48] : memref<158x128xi32, #tpu.memory_space<vmem>> -> memref<1x128xi32, #tpu.memory_space<vmem>>
      %dma_start3A_50 = tpu.memref_squeeze %dma_start3A_49 : memref<1x128xi32, #tpu.memory_space<vmem>> -> memref<128xi32, #tpu.memory_space<vmem>>
      %dma_start3A_51 = arith.constant 0 : i32
      %dma_start3A_52 = arith.constant 0 : i32
      %dma_start3A_53 = tpu.memref_slice %arg5[%dma_start3A_51, %dma_start3A_52] : memref<20480x64xf32, #tpu.memory_space<hbm>> -> memref<20480x64xf32, #tpu.memory_space<hbm>>
      tpu.enqueue_indirect_dma source(%dma_start3A_53 : memref<20480x64xf32, #tpu.memory_space<hbm>>) target(%arg10 : memref<128x64xf32, #tpu.memory_space<vmem>>) offsets(%dma_start3A_50 : memref<128xi32, #tpu.memory_space<vmem>>) semaphore(%arg17 : memref<!tpu.dma_semaphore, #tpu.memory_space<semaphore_mem>>)
      %scan3A_54 = arith.constant 0 : i32
      %scan3A_55 = arith.constant 79 : i32
      %scan3A_56 = arith.addi %scan3A_54, %scan3A_55 : i32
      %scan3A_57 = arith.constant 1 : i32
      scf.for %scan3A_66 = %scan3A_54 to %scan3A_56 step %scan3A_57  : i32 {
        %mul3A_67 = arith.constant 2 : i32
        %mul3A_68 = arith.muli %scan3A_66, %mul3A_67 : i32
        %add3A_69 = arith.constant 0 : i32
        %add3A_70 = arith.addi %add3A_69, %mul3A_68 : i32
        %dma_wait3A = arith.constant 0 : i32
        %dma_wait3A_71 = arith.constant 0 : i32
        %dma_wait3A_72 = tpu.memref_slice %arg5[%dma_wait3A, %dma_wait3A_71] : memref<20480x64xf32, #tpu.memory_space<hbm>> -> memref<128x64xf32, #tpu.memory_space<hbm>>
        %dma_wait3A_73 = arith.constant 0 : i32
        %dma_wait3A_74 = arith.constant 0 : i32
        %dma_wait3A_75 = tpu.memref_slice %arg5[%dma_wait3A_73, %dma_wait3A_74] : memref<20480x64xf32, #tpu.memory_space<hbm>> -> memref<128x64xf32, #tpu.memory_space<hbm>>
        tpu.wait_dma2 semaphore(%arg16 : memref<!tpu.dma_semaphore, #tpu.memory_space<semaphore_mem>>) src(%dma_wait3A_75 : memref<128x64xf32, #tpu.memory_space<hbm>>) dst(%arg9 : memref<128x64xf32, #tpu.memory_space<vmem>>)
        "tpu.region"() ({
          %run_scoped3A = tpu.sem_alloc : memref<!tpu.dma_semaphore, #tpu.memory_space<semaphore_mem>>
          %dma_start3A_95 = arith.constant 0 : i32
          %dma_start3A_96 = tpu.memref_slice %arg8[%add3A_70, %dma_start3A_95] : memref<158x128xi32, #tpu.memory_space<vmem>> -> memref<1x128xi32, #tpu.memory_space<vmem>>
          %dma_start3A_97 = tpu.memref_squeeze %dma_start3A_96 : memref<1x128xi32, #tpu.memory_space<vmem>> -> memref<128xi32, #tpu.memory_space<vmem>>
          %dma_start3A_98 = arith.constant 0 : i32
          %dma_start3A_99 = arith.constant 0 : i32
          %dma_start3A_100 = tpu.memref_slice %arg6[%dma_start3A_98, %dma_start3A_99] : memref<10240x64xf32, #tpu.memory_space<vmem_shared>> -> memref<10240x64xf32, #tpu.memory_space<vmem_shared>>
          tpu.enqueue_indirect_dma source(%arg9 : memref<128x64xf32, #tpu.memory_space<vmem>>) target(%dma_start3A_100 : memref<10240x64xf32, #tpu.memory_space<vmem_shared>>) offsets(%dma_start3A_97 : memref<128xi32, #tpu.memory_space<vmem>>) semaphore(%run_scoped3A : memref<!tpu.dma_semaphore, #tpu.memory_space<semaphore_mem>>) {add = true}
          %dma_wait3A_101 = arith.constant 0 : i32
          %dma_wait3A_102 = tpu.memref_slice %arg8[%add3A_70, %dma_wait3A_101] : memref<158x128xi32, #tpu.memory_space<vmem>> -> memref<1x128xi32, #tpu.memory_space<vmem>>
          %dma_wait3A_103 = tpu.memref_squeeze %dma_wait3A_102 : memref<1x128xi32, #tpu.memory_space<vmem>> -> memref<128xi32, #tpu.memory_space<vmem>>
          %dma_wait3A_104 = arith.constant 0 : i32
          %dma_wait3A_105 = arith.constant 0 : i32
          %dma_wait3A_106 = tpu.memref_slice %arg6[%dma_wait3A_104, %dma_wait3A_105] : memref<10240x64xf32, #tpu.memory_space<vmem_shared>> -> memref<10240x64xf32, #tpu.memory_space<vmem_shared>>
          tpu.wait_indirect_dma semaphore(%run_scoped3A : memref<!tpu.dma_semaphore, #tpu.memory_space<semaphore_mem>>) src(%arg9 : memref<128x64xf32, #tpu.memory_space<vmem>>) dst(%dma_wait3A_106 : memref<10240x64xf32, #tpu.memory_space<vmem_shared>>)
          tpu.yield
        }) : () -> ()
        %add3A_76 = arith.constant 2 : i32
        %add3A_77 = arith.addi %add3A_70, %add3A_76 : i32
        %lt3A = arith.constant 158 : i32
        %lt3A_78 = arith.cmpi slt, %add3A_77, %lt3A : i32
        %convert_element_type3A = arith.extui %lt3A_78 : i1 to i32
        %cond3A = arith.constant 0 : i32
        %cond3A_79 = arith.cmpi ne, %convert_element_type3A, %cond3A : i32
        scf.if %cond3A_79 {
          %add3A_95 = arith.constant 2 : i32
          %add3A_96 = arith.addi %add3A_70, %add3A_95 : i32
          %dma_start3A_97 = arith.constant 0 : i32
          %dma_start3A_98 = tpu.memref_slice %arg7[%add3A_96, %dma_start3A_97] : memref<158x128xi32, #tpu.memory_space<vmem>> -> memref<1x128xi32, #tpu.memory_space<vmem>>
          %dma_start3A_99 = tpu.memref_squeeze %dma_start3A_98 : memref<1x128xi32, #tpu.memory_space<vmem>> -> memref<128xi32, #tpu.memory_space<vmem>>
          %dma_start3A_100 = arith.constant 0 : i32
          %dma_start3A_101 = arith.constant 0 : i32
          %dma_start3A_102 = tpu.memref_slice %arg5[%dma_start3A_100, %dma_start3A_101] : memref<20480x64xf32, #tpu.memory_space<hbm>> -> memref<20480x64xf32, #tpu.memory_space<hbm>>
          tpu.enqueue_indirect_dma source(%dma_start3A_102 : memref<20480x64xf32, #tpu.memory_space<hbm>>) target(%arg9 : memref<128x64xf32, #tpu.memory_space<vmem>>) offsets(%dma_start3A_99 : memref<128xi32, #tpu.memory_space<vmem>>) semaphore(%arg16 : memref<!tpu.dma_semaphore, #tpu.memory_space<semaphore_mem>>)
        } else {
        }
        %dma_wait3A_80 = arith.constant 0 : i32
        %dma_wait3A_81 = arith.constant 0 : i32
        %dma_wait3A_82 = tpu.memref_slice %arg5[%dma_wait3A_80, %dma_wait3A_81] : memref<20480x64xf32, #tpu.memory_space<hbm>> -> memref<128x64xf32, #tpu.memory_space<hbm>>
        %dma_wait3A_83 = arith.constant 0 : i32
        %dma_wait3A_84 = arith.constant 0 : i32
        %dma_wait3A_85 = tpu.memref_slice %arg5[%dma_wait3A_83, %dma_wait3A_84] : memref<20480x64xf32, #tpu.memory_space<hbm>> -> memref<128x64xf32, #tpu.memory_space<hbm>>
        tpu.wait_dma2 semaphore(%arg17 : memref<!tpu.dma_semaphore, #tpu.memory_space<semaphore_mem>>) src(%dma_wait3A_85 : memref<128x64xf32, #tpu.memory_space<hbm>>) dst(%arg10 : memref<128x64xf32, #tpu.memory_space<vmem>>)
        %add3A_86 = arith.constant 1 : i32
        %add3A_87 = arith.addi %add3A_70, %add3A_86 : i32
        "tpu.region"() ({
          %run_scoped3A = tpu.sem_alloc : memref<!tpu.dma_semaphore, #tpu.memory_space<semaphore_mem>>
          %dma_start3A_95 = arith.constant 0 : i32
          %dma_start3A_96 = tpu.memref_slice %arg8[%add3A_87, %dma_start3A_95] : memref<158x128xi32, #tpu.memory_space<vmem>> -> memref<1x128xi32, #tpu.memory_space<vmem>>
          %dma_start3A_97 = tpu.memref_squeeze %dma_start3A_96 : memref<1x128xi32, #tpu.memory_space<vmem>> -> memref<128xi32, #tpu.memory_space<vmem>>
          %dma_start3A_98 = arith.constant 0 : i32
          %dma_start3A_99 = arith.constant 0 : i32
          %dma_start3A_100 = tpu.memref_slice %arg6[%dma_start3A_98, %dma_start3A_99] : memref<10240x64xf32, #tpu.memory_space<vmem_shared>> -> memref<10240x64xf32, #tpu.memory_space<vmem_shared>>
          tpu.enqueue_indirect_dma source(%arg10 : memref<128x64xf32, #tpu.memory_space<vmem>>) target(%dma_start3A_100 : memref<10240x64xf32, #tpu.memory_space<vmem_shared>>) offsets(%dma_start3A_97 : memref<128xi32, #tpu.memory_space<vmem>>) semaphore(%run_scoped3A : memref<!tpu.dma_semaphore, #tpu.memory_space<semaphore_mem>>) {add = true}
          %dma_wait3A_101 = arith.constant 0 : i32
          %dma_wait3A_102 = tpu.memref_slice %arg8[%add3A_87, %dma_wait3A_101] : memref<158x128xi32, #tpu.memory_space<vmem>> -> memref<1x128xi32, #tpu.memory_space<vmem>>
          %dma_wait3A_103 = tpu.memref_squeeze %dma_wait3A_102 : memref<1x128xi32, #tpu.memory_space<vmem>> -> memref<128xi32, #tpu.memory_space<vmem>>
          %dma_wait3A_104 = arith.constant 0 : i32
          %dma_wait3A_105 = arith.constant 0 : i32
          %dma_wait3A_106 = tpu.memref_slice %arg6[%dma_wait3A_104, %dma_wait3A_105] : memref<10240x64xf32, #tpu.memory_space<vmem_shared>> -> memref<10240x64xf32, #tpu.memory_space<vmem_shared>>
          tpu.wait_indirect_dma semaphore(%run_scoped3A : memref<!tpu.dma_semaphore, #tpu.memory_space<semaphore_mem>>) src(%arg10 : memref<128x64xf32, #tpu.memory_space<vmem>>) dst(%dma_wait3A_106 : memref<10240x64xf32, #tpu.memory_space<vmem_shared>>)
          tpu.yield
        }) : () -> ()
        %add3A_88 = arith.constant 3 : i32
        %add3A_89 = arith.addi %add3A_70, %add3A_88 : i32
        %lt3A_90 = arith.constant 158 : i32
        %lt3A_91 = arith.cmpi slt, %add3A_89, %lt3A_90 : i32
        %convert_element_type3A_92 = arith.extui %lt3A_91 : i1 to i32
        %cond3A_93 = arith.constant 0 : i32
        %cond3A_94 = arith.cmpi ne, %convert_element_type3A_92, %cond3A_93 : i32
        scf.if %cond3A_94 {
          %add3A_95 = arith.constant 3 : i32
          %add3A_96 = arith.addi %add3A_70, %add3A_95 : i32
          %dma_start3A_97 = arith.constant 0 : i32
          %dma_start3A_98 = tpu.memref_slice %arg7[%add3A_96, %dma_start3A_97] : memref<158x128xi32, #tpu.memory_space<vmem>> -> memref<1x128xi32, #tpu.memory_space<vmem>>
          %dma_start3A_99 = tpu.memref_squeeze %dma_start3A_98 : memref<1x128xi32, #tpu.memory_space<vmem>> -> memref<128xi32, #tpu.memory_space<vmem>>
          %dma_start3A_100 = arith.constant 0 : i32
          %dma_start3A_101 = arith.constant 0 : i32
          %dma_start3A_102 = tpu.memref_slice %arg5[%dma_start3A_100, %dma_start3A_101] : memref<20480x64xf32, #tpu.memory_space<hbm>> -> memref<20480x64xf32, #tpu.memory_space<hbm>>
          tpu.enqueue_indirect_dma source(%dma_start3A_102 : memref<20480x64xf32, #tpu.memory_space<hbm>>) target(%arg10 : memref<128x64xf32, #tpu.memory_space<vmem>>) offsets(%dma_start3A_99 : memref<128xi32, #tpu.memory_space<vmem>>) semaphore(%arg17 : memref<!tpu.dma_semaphore, #tpu.memory_space<semaphore_mem>>)
        } else {
        }
      }
      %scan3A_58 = arith.constant 79 : i32
      %barrier3A_59 = arith.constant 0 : index
      tpu.barrier barrier_id(%barrier3A_59)
      %scan3A_60 = arith.constant 0 : i32
      %scan3A_61 = arith.constant 10 : i32
      %scan3A_62 = arith.addi %scan3A_60, %scan3A_61 : i32
      %scan3A_63 = arith.constant 1 : i32
      scf.for %scan3A_66 = %scan3A_60 to %scan3A_62 step %scan3A_63  : i32 {
        %mul3A_67 = arith.constant 1 : i32
        %mul3A_68 = arith.muli %scan3A_66, %mul3A_67 : i32
        %add3A_69 = arith.constant 0 : i32
        %add3A_70 = arith.addi %add3A_69, %mul3A_68 : i32
        %mul3A_71 = arith.constant 64 : i32
        %mul3A_72 = arith.muli %add3A_70, %mul3A_71 : i32
        %add3A_73 = arith.addi %mul3A_4, %mul3A_72 : i32
        "tpu.region"() ({
          %run_scoped3A = tpu.sem_alloc : memref<!tpu.dma_semaphore, #tpu.memory_space<semaphore_mem>>
          %dma_start3A_96 = arith.constant 0 : i32
          %dma_start3A_97 = tpu.memref_slice %arg6[%add3A_73, %dma_start3A_96] : memref<10240x64xf32, #tpu.memory_space<vmem_shared>> -> memref<64x64xf32, #tpu.memory_space<vmem_shared>>
          %dma_start3A_98 = arith.constant 0 : i32
          %dma_start3A_99 = tpu.memref_slice %arg6[%add3A_73, %dma_start3A_98] : memref<10240x64xf32, #tpu.memory_space<vmem_shared>> -> memref<64x64xf32, #tpu.memory_space<vmem_shared>>
          tpu.enqueue_dma source(%dma_start3A_99 : memref<64x64xf32, #tpu.memory_space<vmem_shared>>) target(%arg13 : memref<64x64xf32, #tpu.memory_space<vmem>>) target_semaphore(%run_scoped3A : memref<!tpu.dma_semaphore, #tpu.memory_space<semaphore_mem>>)
          %dma_wait3A = arith.constant 0 : i32
          %dma_wait3A_100 = tpu.memref_slice %arg6[%add3A_73, %dma_wait3A] : memref<10240x64xf32, #tpu.memory_space<vmem_shared>> -> memref<64x64xf32, #tpu.memory_space<vmem_shared>>
          %dma_wait3A_101 = arith.constant 0 : i32
          %dma_wait3A_102 = tpu.memref_slice %arg6[%add3A_73, %dma_wait3A_101] : memref<10240x64xf32, #tpu.memory_space<vmem_shared>> -> memref<64x64xf32, #tpu.memory_space<vmem_shared>>
          tpu.wait_dma2 semaphore(%run_scoped3A : memref<!tpu.dma_semaphore, #tpu.memory_space<semaphore_mem>>) src(%dma_wait3A_102 : memref<64x64xf32, #tpu.memory_space<vmem_shared>>) dst(%arg13 : memref<64x64xf32, #tpu.memory_space<vmem>>)
          tpu.yield
        }) : () -> ()
        %mul3A_74 = arith.constant 64 : i32
        %mul3A_75 = arith.muli %add3A_70, %mul3A_74 : i32
        %add3A_76 = arith.addi %mul3A_4, %mul3A_75 : i32
        "tpu.region"() ({
          %run_scoped3A = tpu.sem_alloc : memref<!tpu.dma_semaphore, #tpu.memory_space<semaphore_mem>>
          %dma_start3A_96 = arith.constant 0 : i32
          %dma_start3A_97 = tpu.memref_slice %arg6[%add3A_76, %dma_start3A_96] : memref<10240x64xf32, #tpu.memory_space<vmem_shared>> -> memref<32x64xf32, #tpu.memory_space<vmem_shared>>
          %dma_start3A_98 = arith.constant 0 : i32
          %dma_start3A_99 = tpu.memref_slice %arg6[%add3A_76, %dma_start3A_98] : memref<10240x64xf32, #tpu.memory_space<vmem_shared>> -> memref<32x64xf32, #tpu.memory_space<vmem_shared>>
          tpu.enqueue_dma source(%arg11 : memref<32x64xf32, #tpu.memory_space<vmem>>) target(%dma_start3A_99 : memref<32x64xf32, #tpu.memory_space<vmem_shared>>) target_semaphore(%run_scoped3A : memref<!tpu.dma_semaphore, #tpu.memory_space<semaphore_mem>>)
          %dma_wait3A = arith.constant 0 : i32
          %dma_wait3A_100 = tpu.memref_slice %arg6[%add3A_76, %dma_wait3A] : memref<10240x64xf32, #tpu.memory_space<vmem_shared>> -> memref<32x64xf32, #tpu.memory_space<vmem_shared>>
          %dma_wait3A_101 = arith.constant 0 : i32
          %dma_wait3A_102 = tpu.memref_slice %arg6[%add3A_76, %dma_wait3A_101] : memref<10240x64xf32, #tpu.memory_space<vmem_shared>> -> memref<32x64xf32, #tpu.memory_space<vmem_shared>>
          tpu.wait_dma2 semaphore(%run_scoped3A : memref<!tpu.dma_semaphore, #tpu.memory_space<semaphore_mem>>) src(%arg11 : memref<32x64xf32, #tpu.memory_space<vmem>>) dst(%dma_wait3A_102 : memref<32x64xf32, #tpu.memory_space<vmem_shared>>)
          tpu.yield
        }) : () -> ()
        %mul3A_77 = arith.constant 64 : i32
        %mul3A_78 = arith.muli %add3A_70, %mul3A_77 : i32
        %add3A_79 = arith.addi %mul3A_4, %mul3A_78 : i32
        %add3A_80 = arith.constant 32 : i32
        %add3A_81 = arith.addi %add3A_79, %add3A_80 : i32
        "tpu.region"() ({
          %run_scoped3A = tpu.sem_alloc : memref<!tpu.dma_semaphore, #tpu.memory_space<semaphore_mem>>
          %dma_start3A_96 = arith.constant 0 : i32
          %dma_start3A_97 = tpu.memref_slice %arg6[%add3A_81, %dma_start3A_96] : memref<10240x64xf32, #tpu.memory_space<vmem_shared>> -> memref<32x64xf32, #tpu.memory_space<vmem_shared>>
          %dma_start3A_98 = arith.constant 0 : i32
          %dma_start3A_99 = tpu.memref_slice %arg6[%add3A_81, %dma_start3A_98] : memref<10240x64xf32, #tpu.memory_space<vmem_shared>> -> memref<32x64xf32, #tpu.memory_space<vmem_shared>>
          tpu.enqueue_dma source(%arg11 : memref<32x64xf32, #tpu.memory_space<vmem>>) target(%dma_start3A_99 : memref<32x64xf32, #tpu.memory_space<vmem_shared>>) target_semaphore(%run_scoped3A : memref<!tpu.dma_semaphore, #tpu.memory_space<semaphore_mem>>)
          %dma_wait3A = arith.constant 0 : i32
          %dma_wait3A_100 = tpu.memref_slice %arg6[%add3A_81, %dma_wait3A] : memref<10240x64xf32, #tpu.memory_space<vmem_shared>> -> memref<32x64xf32, #tpu.memory_space<vmem_shared>>
          %dma_wait3A_101 = arith.constant 0 : i32
          %dma_wait3A_102 = tpu.memref_slice %arg6[%add3A_81, %dma_wait3A_101] : memref<10240x64xf32, #tpu.memory_space<vmem_shared>> -> memref<32x64xf32, #tpu.memory_space<vmem_shared>>
          tpu.wait_dma2 semaphore(%run_scoped3A : memref<!tpu.dma_semaphore, #tpu.memory_space<semaphore_mem>>) src(%arg11 : memref<32x64xf32, #tpu.memory_space<vmem>>) dst(%dma_wait3A_102 : memref<32x64xf32, #tpu.memory_space<vmem_shared>>)
          tpu.yield
        }) : () -> ()
        %mul3A_82 = arith.constant 64 : i32
        %mul3A_83 = arith.muli %add3A_70, %mul3A_82 : i32
        %add3A_84 = arith.addi %add3A, %mul3A_83 : i32
        "tpu.region"() ({
          %run_scoped3A = tpu.sem_alloc : memref<!tpu.dma_semaphore, #tpu.memory_space<semaphore_mem>>
          %dma_start3A_96 = arith.constant 0 : i32
          %dma_start3A_97 = tpu.memref_slice %arg2[%add3A_84, %dma_start3A_96] : memref<20480x64xf32, #tpu.memory_space<hbm>> -> memref<64x64xf32, #tpu.memory_space<hbm>>
          %dma_start3A_98 = arith.constant 0 : i32
          %dma_start3A_99 = tpu.memref_slice %arg2[%add3A_84, %dma_start3A_98] : memref<20480x64xf32, #tpu.memory_space<hbm>> -> memref<64x64xf32, #tpu.memory_space<hbm>>
          tpu.enqueue_dma source(%dma_start3A_99 : memref<64x64xf32, #tpu.memory_space<hbm>>) target(%arg14 : memref<64x64xf32, #tpu.memory_space<vmem>>) target_semaphore(%run_scoped3A : memref<!tpu.dma_semaphore, #tpu.memory_space<semaphore_mem>>)
          %dma_wait3A = arith.constant 0 : i32
          %dma_wait3A_100 = tpu.memref_slice %arg2[%add3A_84, %dma_wait3A] : memref<20480x64xf32, #tpu.memory_space<hbm>> -> memref<64x64xf32, #tpu.memory_space<hbm>>
          %dma_wait3A_101 = arith.constant 0 : i32
          %dma_wait3A_102 = tpu.memref_slice %arg2[%add3A_84, %dma_wait3A_101] : memref<20480x64xf32, #tpu.memory_space<hbm>> -> memref<64x64xf32, #tpu.memory_space<hbm>>
          tpu.wait_dma2 semaphore(%run_scoped3A : memref<!tpu.dma_semaphore, #tpu.memory_space<semaphore_mem>>) src(%dma_wait3A_102 : memref<64x64xf32, #tpu.memory_space<hbm>>) dst(%arg14 : memref<64x64xf32, #tpu.memory_space<vmem>>)
          tpu.yield
        }) : () -> ()
        %mul3A_85 = arith.constant 64 : i32
        %mul3A_86 = arith.muli %add3A_70, %mul3A_85 : i32
        %add3A_87 = arith.addi %add3A, %mul3A_86 : i32
        "tpu.region"() ({
          %run_scoped3A = tpu.sem_alloc : memref<!tpu.dma_semaphore, #tpu.memory_space<semaphore_mem>>
          %dma_start3A_96 = arith.constant 0 : i32
          %dma_start3A_97 = tpu.memref_slice %arg5[%add3A_87, %dma_start3A_96] : memref<20480x64xf32, #tpu.memory_space<hbm>> -> memref<64x64xf32, #tpu.memory_space<hbm>>
          %dma_start3A_98 = arith.constant 0 : i32
          %dma_start3A_99 = tpu.memref_slice %arg5[%add3A_87, %dma_start3A_98] : memref<20480x64xf32, #tpu.memory_space<hbm>> -> memref<64x64xf32, #tpu.memory_space<hbm>>
          tpu.enqueue_dma source(%dma_start3A_99 : memref<64x64xf32, #tpu.memory_space<hbm>>) target(%arg15 : memref<64x64xf32, #tpu.memory_space<vmem>>) target_semaphore(%run_scoped3A : memref<!tpu.dma_semaphore, #tpu.memory_space<semaphore_mem>>)
          %dma_wait3A = arith.constant 0 : i32
          %dma_wait3A_100 = tpu.memref_slice %arg5[%add3A_87, %dma_wait3A] : memref<20480x64xf32, #tpu.memory_space<hbm>> -> memref<64x64xf32, #tpu.memory_space<hbm>>
          %dma_wait3A_101 = arith.constant 0 : i32
          %dma_wait3A_102 = tpu.memref_slice %arg5[%add3A_87, %dma_wait3A_101] : memref<20480x64xf32, #tpu.memory_space<hbm>> -> memref<64x64xf32, #tpu.memory_space<hbm>>
          tpu.wait_dma2 semaphore(%run_scoped3A : memref<!tpu.dma_semaphore, #tpu.memory_space<semaphore_mem>>) src(%dma_wait3A_102 : memref<64x64xf32, #tpu.memory_space<hbm>>) dst(%arg15 : memref<64x64xf32, #tpu.memory_space<vmem>>)
          tpu.yield
        }) : () -> ()
        %scan3A_88 = arith.constant 0 : i32
        %scan3A_89 = arith.constant 64 : i32
        %scan3A_90 = arith.addi %scan3A_88, %scan3A_89 : i32
        %scan3A_91 = arith.constant 1 : i32
        scf.for %scan3A_96 = %scan3A_88 to %scan3A_90 step %scan3A_91  : i32 {
          %mul3A_97 = arith.constant 1 : i32
          %mul3A_98 = arith.muli %scan3A_96, %mul3A_97 : i32
          %add3A_99 = arith.constant 0 : i32
          %add3A_100 = arith.addi %add3A_99, %mul3A_98 : i32
          %mul3A_101 = arith.constant 64 : i32
          %mul3A_102 = arith.muli %add3A_70, %mul3A_101 : i32
          %add3A_103 = arith.addi %mul3A_102, %add3A_100 : i32
          %get3A = arith.index_cast %add3A_103 : i32 to index
          %get3A_104 = arith.constant 0 : index
          %get3A_105 = tpu.vector_load %arg12[%get3A, %get3A_104] {strides = array<i32>} : memref<640x16xf32, #tpu.memory_space<vmem>>, vector<1x16xf32>,
          %get3A_106 = vector.shape_cast %get3A_105 : vector<1x16xf32> to vector<16xf32>
          %get3A_107 = arith.index_cast %add3A_100 : i32 to index
          %get3A_108 = arith.constant 0 : index
          %get3A_109 = tpu.vector_load %arg13[%get3A_107, %get3A_108] {strides = array<i32>} : memref<64x64xf32, #tpu.memory_space<vmem>>, vector<1x16xf32>,
          %get3A_110 = vector.shape_cast %get3A_109 : vector<1x16xf32> to vector<16xf32>
          %get3A_111 = arith.index_cast %add3A_100 : i32 to index
          %get3A_112 = arith.constant 0 : index
          %get3A_113 = tpu.vector_load %arg15[%get3A_111, %get3A_112] {strides = array<i32>} : memref<64x64xf32, #tpu.memory_space<vmem>>, vector<1x16xf32>,
          %get3A_114 = vector.shape_cast %get3A_113 : vector<1x16xf32> to vector<16xf32>
          %get3A_115 = arith.index_cast %add3A_100 : i32 to index
          %get3A_116 = arith.constant 0 : index
          %get3A_117 = tpu.vector_load %arg14[%get3A_115, %get3A_116] {strides = array<i32>} : memref<64x64xf32, #tpu.memory_space<vmem>>, vector<1x16xf32>,
          %get3A_118 = vector.shape_cast %get3A_117 : vector<1x16xf32> to vector<16xf32>
          %mul3A_119 = arith.constant 5.000000e-01 : f32
          %mul3A_120 = vector.broadcast %mul3A_119 : f32 to vector<16xf32>
          %mul3A_121 = arith.mulf %mul3A_120, %get3A_106 : vector<16xf32>
          %add3A_122 = arith.addf %get3A_110, %get3A_114 : vector<16xf32>
          %mul3A_123 = arith.mulf %mul3A_121, %add3A_122 : vector<16xf32>
          %mul3A_124 = arith.constant 5.000000e-01 : f32
          %mul3A_125 = vector.broadcast %mul3A_124 : f32 to vector<16xf32>
          %mul3A_126 = arith.mulf %mul3A_125, %get3A_118 : vector<16xf32>
          %add3A_127 = arith.addf %mul3A_123, %mul3A_126 : vector<16xf32>
          %swap3A = arith.index_cast %add3A_100 : i32 to index
          %swap3A_128 = arith.constant 0 : index
          %swap3A_129 = tpu.vector_load %arg15[%swap3A, %swap3A_128] {strides = array<i32>} : memref<64x64xf32, #tpu.memory_space<vmem>>, vector<1x16xf32>,
          %swap3A_130 = vector.shape_cast %swap3A_129 : vector<1x16xf32> to vector<16xf32>
          %swap3A_131 = vector.shape_cast %add3A_127 : vector<16xf32> to vector<1x16xf32>
          tpu.vector_store %arg15[%swap3A, %swap3A_128], %swap3A_131 {strides = array<i32>} : memref<64x64xf32, #tpu.memory_space<vmem>>, vector<1x16xf32>,
          %get3A_132 = arith.index_cast %add3A_100 : i32 to index
          %get3A_133 = arith.constant 16 : index
          %get3A_134 = tpu.vector_load %arg13[%get3A_132, %get3A_133] {strides = array<i32>} : memref<64x64xf32, #tpu.memory_space<vmem>>, vector<1x16xf32>,
          %get3A_135 = vector.shape_cast %get3A_134 : vector<1x16xf32> to vector<16xf32>
          %get3A_136 = arith.index_cast %add3A_100 : i32 to index
          %get3A_137 = arith.constant 16 : index
          %get3A_138 = tpu.vector_load %arg15[%get3A_136, %get3A_137] {strides = array<i32>} : memref<64x64xf32, #tpu.memory_space<vmem>>, vector<1x16xf32>,
          %get3A_139 = vector.shape_cast %get3A_138 : vector<1x16xf32> to vector<16xf32>
          %get3A_140 = arith.index_cast %add3A_100 : i32 to index
          %get3A_141 = arith.constant 16 : index
          %get3A_142 = tpu.vector_load %arg14[%get3A_140, %get3A_141] {strides = array<i32>} : memref<64x64xf32, #tpu.memory_space<vmem>>, vector<1x16xf32>,
          %get3A_143 = vector.shape_cast %get3A_142 : vector<1x16xf32> to vector<16xf32>
          %mul3A_144 = arith.constant 5.000000e-01 : f32
          %mul3A_145 = vector.broadcast %mul3A_144 : f32 to vector<16xf32>
          %mul3A_146 = arith.mulf %mul3A_145, %get3A_106 : vector<16xf32>
          %add3A_147 = arith.addf %get3A_135, %get3A_139 : vector<16xf32>
          %mul3A_148 = arith.mulf %mul3A_146, %add3A_147 : vector<16xf32>
          %mul3A_149 = arith.constant 5.000000e-01 : f32
          %mul3A_150 = vector.broadcast %mul3A_149 : f32 to vector<16xf32>
          %mul3A_151 = arith.mulf %mul3A_150, %get3A_143 : vector<16xf32>
          %add3A_152 = arith.addf %mul3A_148, %mul3A_151 : vector<16xf32>
          %swap3A_153 = arith.index_cast %add3A_100 : i32 to index
          %swap3A_154 = arith.constant 16 : index
          %swap3A_155 = tpu.vector_load %arg15[%swap3A_153, %swap3A_154] {strides = array<i32>} : memref<64x64xf32, #tpu.memory_space<vmem>>, vector<1x16xf32>,
          %swap3A_156 = vector.shape_cast %swap3A_155 : vector<1x16xf32> to vector<16xf32>
          %swap3A_157 = vector.shape_cast %add3A_152 : vector<16xf32> to vector<1x16xf32>
          tpu.vector_store %arg15[%swap3A_153, %swap3A_154], %swap3A_157 {strides = array<i32>} : memref<64x64xf32, #tpu.memory_space<vmem>>, vector<1x16xf32>,
          %get3A_158 = arith.index_cast %add3A_100 : i32 to index
          %get3A_159 = arith.constant 32 : index
          %get3A_160 = tpu.vector_load %arg13[%get3A_158, %get3A_159] {strides = array<i32>} : memref<64x64xf32, #tpu.memory_space<vmem>>, vector<1x16xf32>,
          %get3A_161 = vector.shape_cast %get3A_160 : vector<1x16xf32> to vector<16xf32>
          %get3A_162 = arith.index_cast %add3A_100 : i32 to index
          %get3A_163 = arith.constant 32 : index
          %get3A_164 = tpu.vector_load %arg15[%get3A_162, %get3A_163] {strides = array<i32>} : memref<64x64xf32, #tpu.memory_space<vmem>>, vector<1x16xf32>,
          %get3A_165 = vector.shape_cast %get3A_164 : vector<1x16xf32> to vector<16xf32>
          %get3A_166 = arith.index_cast %add3A_100 : i32 to index
          %get3A_167 = arith.constant 32 : index
          %get3A_168 = tpu.vector_load %arg14[%get3A_166, %get3A_167] {strides = array<i32>} : memref<64x64xf32, #tpu.memory_space<vmem>>, vector<1x16xf32>,
          %get3A_169 = vector.shape_cast %get3A_168 : vector<1x16xf32> to vector<16xf32>
          %mul3A_170 = arith.constant 5.000000e-01 : f32
          %mul3A_171 = vector.broadcast %mul3A_170 : f32 to vector<16xf32>
          %mul3A_172 = arith.mulf %mul3A_171, %get3A_106 : vector<16xf32>
          %add3A_173 = arith.addf %get3A_161, %get3A_165 : vector<16xf32>
          %mul3A_174 = arith.mulf %mul3A_172, %add3A_173 : vector<16xf32>
          %mul3A_175 = arith.constant 5.000000e-01 : f32
          %mul3A_176 = vector.broadcast %mul3A_175 : f32 to vector<16xf32>
          %mul3A_177 = arith.mulf %mul3A_176, %get3A_169 : vector<16xf32>
          %add3A_178 = arith.addf %mul3A_174, %mul3A_177 : vector<16xf32>
          %swap3A_179 = arith.index_cast %add3A_100 : i32 to index
          %swap3A_180 = arith.constant 32 : index
          %swap3A_181 = tpu.vector_load %arg15[%swap3A_179, %swap3A_180] {strides = array<i32>} : memref<64x64xf32, #tpu.memory_space<vmem>>, vector<1x16xf32>,
          %swap3A_182 = vector.shape_cast %swap3A_181 : vector<1x16xf32> to vector<16xf32>
          %swap3A_183 = vector.shape_cast %add3A_178 : vector<16xf32> to vector<1x16xf32>
          tpu.vector_store %arg15[%swap3A_179, %swap3A_180], %swap3A_183 {strides = array<i32>} : memref<64x64xf32, #tpu.memory_space<vmem>>, vector<1x16xf32>,
          %get3A_184 = arith.index_cast %add3A_100 : i32 to index
          %get3A_185 = arith.constant 48 : index
          %get3A_186 = tpu.vector_load %arg13[%get3A_184, %get3A_185] {strides = array<i32>} : memref<64x64xf32, #tpu.memory_space<vmem>>, vector<1x16xf32>,
          %get3A_187 = vector.shape_cast %get3A_186 : vector<1x16xf32> to vector<16xf32>
          %get3A_188 = arith.index_cast %add3A_100 : i32 to index
          %get3A_189 = arith.constant 48 : index
          %get3A_190 = tpu.vector_load %arg15[%get3A_188, %get3A_189] {strides = array<i32>} : memref<64x64xf32, #tpu.memory_space<vmem>>, vector<1x16xf32>,
          %get3A_191 = vector.shape_cast %get3A_190 : vector<1x16xf32> to vector<16xf32>
          %get3A_192 = arith.index_cast %add3A_100 : i32 to index
          %get3A_193 = arith.constant 48 : index
          %get3A_194 = tpu.vector_load %arg14[%get3A_192, %get3A_193] {strides = array<i32>} : memref<64x64xf32, #tpu.memory_space<vmem>>, vector<1x16xf32>,
          %get3A_195 = vector.shape_cast %get3A_194 : vector<1x16xf32> to vector<16xf32>
          %mul3A_196 = arith.constant 5.000000e-01 : f32
          %mul3A_197 = vector.broadcast %mul3A_196 : f32 to vector<16xf32>
          %mul3A_198 = arith.mulf %mul3A_197, %get3A_106 : vector<16xf32>
          %add3A_199 = arith.addf %get3A_187, %get3A_191 : vector<16xf32>
          %mul3A_200 = arith.mulf %mul3A_198, %add3A_199 : vector<16xf32>
          %mul3A_201 = arith.constant 5.000000e-01 : f32
          %mul3A_202 = vector.broadcast %mul3A_201 : f32 to vector<16xf32>
          %mul3A_203 = arith.mulf %mul3A_202, %get3A_195 : vector<16xf32>
          %add3A_204 = arith.addf %mul3A_200, %mul3A_203 : vector<16xf32>
          %swap3A_205 = arith.index_cast %add3A_100 : i32 to index
          %swap3A_206 = arith.constant 48 : index
          %swap3A_207 = tpu.vector_load %arg15[%swap3A_205, %swap3A_206] {strides = array<i32>} : memref<64x64xf32, #tpu.memory_space<vmem>>, vector<1x16xf32>,
          %swap3A_208 = vector.shape_cast %swap3A_207 : vector<1x16xf32> to vector<16xf32>
          %swap3A_209 = vector.shape_cast %add3A_204 : vector<16xf32> to vector<1x16xf32>
          tpu.vector_store %arg15[%swap3A_205, %swap3A_206], %swap3A_209 {strides = array<i32>} : memref<64x64xf32, #tpu.memory_space<vmem>>, vector<1x16xf32>,
        }
        %scan3A_92 = arith.constant 64 : i32
        %mul3A_93 = arith.constant 64 : i32
        %mul3A_94 = arith.muli %add3A_70, %mul3A_93 : i32
        %add3A_95 = arith.addi %add3A, %mul3A_94 : i32
        "tpu.region"() ({
          %run_scoped3A = tpu.sem_alloc : memref<!tpu.dma_semaphore, #tpu.memory_space<semaphore_mem>>
          %dma_start3A_96 = arith.constant 0 : i32
          %dma_start3A_97 = tpu.memref_slice %arg5[%add3A_95, %dma_start3A_96] : memref<20480x64xf32, #tpu.memory_space<hbm>> -> memref<64x64xf32, #tpu.memory_space<hbm>>
          %dma_start3A_98 = arith.constant 0 : i32
          %dma_start3A_99 = tpu.memref_slice %arg5[%add3A_95, %dma_start3A_98] : memref<20480x64xf32, #tpu.memory_space<hbm>> -> memref<64x64xf32, #tpu.memory_space<hbm>>
          tpu.enqueue_dma source(%arg15 : memref<64x64xf32, #tpu.memory_space<vmem>>) target(%dma_start3A_99 : memref<64x64xf32, #tpu.memory_space<hbm>>) target_semaphore(%run_scoped3A : memref<!tpu.dma_semaphore, #tpu.memory_space<semaphore_mem>>)
          %dma_wait3A = arith.constant 0 : i32
          %dma_wait3A_100 = tpu.memref_slice %arg5[%add3A_95, %dma_wait3A] : memref<20480x64xf32, #tpu.memory_space<hbm>> -> memref<64x64xf32, #tpu.memory_space<hbm>>
          %dma_wait3A_101 = arith.constant 0 : i32
          %dma_wait3A_102 = tpu.memref_slice %arg5[%add3A_95, %dma_wait3A_101] : memref<20480x64xf32, #tpu.memory_space<hbm>> -> memref<64x64xf32, #tpu.memory_space<hbm>>
          tpu.wait_dma2 semaphore(%run_scoped3A : memref<!tpu.dma_semaphore, #tpu.memory_space<semaphore_mem>>) src(%arg15 : memref<64x64xf32, #tpu.memory_space<vmem>>) dst(%dma_wait3A_102 : memref<64x64xf32, #tpu.memory_space<hbm>>)
          tpu.yield
        }) : () -> ()
      }
      %scan3A_64 = arith.constant 10 : i32
      %barrier3A_65 = arith.constant 0 : index
      tpu.barrier barrier_id(%barrier3A_65)
    }
    %scan3A_35 = arith.constant 50 : i32
    return
  }
}

module attributes {stable_mosaic.version = 14 : i64} {
  func.func @_colsum_body(%arg0: i32, %arg1: memref<1000x128xf32, #tpu.memory_space<vmem>>, %arg2: memref<1x128xf32, #tpu.memory_space<vmem>>) attributes {dimension_semantics = [#tpu.dimension_semantics<arbitrary>], iteration_bounds = array<i64: 10>, scalar_prefetch = 0 : i64, scratch_operands = 0 : i64, tpu.core_type = #tpu.core_type<tc>, window_params = [{transform_indices = @transform_0, window_bounds = array<i64: 1000, 128>}, {pipeline_mode = #tpu.pipeline_mode<synchronous>, transform_indices = @transform_1, window_bounds = array<i64: 1, 128>}]} {
    %eq3A = arith.constant 0 : i32
    %eq3A_0 = arith.cmpi eq, %arg0, %eq3A : i32
    %convert_element_type3A = arith.extui %eq3A_0 : i1 to i32
    %cond3A = arith.constant 0 : i32
    %cond3A_1 = arith.cmpi ne, %convert_element_type3A, %cond3A : i32
    scf.if %cond3A_1 {
      %broadcast_in_dim3A_10 = arith.constant 0.000000e+00 : f32
      %broadcast_in_dim3A_11 = vector.broadcast %broadcast_in_dim3A_10 : f32 to vector<1x128xf32>
      %swap3A_12 = arith.constant 0 : index
      %swap3A_13 = arith.constant 0 : index
      %swap3A_14 = vector.load %arg2[%swap3A_12, %swap3A_13] : memref<1x128xf32, #tpu.memory_space<vmem>>, vector<1x128xf32>
      tpu.vector_store %arg2[%swap3A_12, %swap3A_13], %broadcast_in_dim3A_11 {strides = array<i32>} : memref<1x128xf32, #tpu.memory_space<vmem>>, vector<1x128xf32>,
    } else {
    }
    %get3A = arith.constant 0 : index
    %get3A_2 = arith.constant 0 : index
    %get3A_3 = vector.load %arg2[%get3A, %get3A_2] : memref<1x128xf32, #tpu.memory_space<vmem>>, vector<1x128xf32>
    %get3A_4 = arith.constant 0 : index
    %get3A_5 = arith.constant 0 : index
    %get3A_6 = vector.load %arg1[%get3A_4, %get3A_5] : memref<1000x128xf32, #tpu.memory_space<vmem>>, vector<1000x128xf32>
    %reduce_sum3A = arith.constant dense<0.000000e+00> : vector<128xf32>
    %reduce_sum3A_7 = vector.multi_reduction <add>, %get3A_6, %reduce_sum3A [0] : vector<1000x128xf32> to vector<128xf32>
    %broadcast_in_dim3A = vector.shape_cast %reduce_sum3A_7 : vector<128xf32> to vector<1x128xf32>
    %add3A = arith.addf %get3A_3, %broadcast_in_dim3A : vector<1x128xf32>
    %swap3A = arith.constant 0 : index
    %swap3A_8 = arith.constant 0 : index
    %swap3A_9 = vector.load %arg2[%swap3A, %swap3A_8] : memref<1x128xf32, #tpu.memory_space<vmem>>, vector<1x128xf32>
    tpu.vector_store %arg2[%swap3A, %swap3A_8], %add3A {strides = array<i32>} : memref<1x128xf32, #tpu.memory_space<vmem>>, vector<1x128xf32>,
    return
  }
  func.func @transform_0(%arg0: i32) -> (i32, i32) {
    %c0_i32 = arith.constant 0 : i32
    %c0_i32_0 = arith.constant 0 : i32
    return %arg0, %c0_i32 : i32, i32
  }
  func.func @transform_1(%arg0: i32) -> (i32, i32) {
    %c0_i32 = arith.constant 0 : i32
    %c0_i32_0 = arith.constant 0 : i32
    %c0_i32_1 = arith.constant 0 : i32
    return %c0_i32, %c0_i32_0 : i32, i32
  }
}

module attributes {stable_mosaic.version = 14 : i64} {
  func.func @_center_body(%arg0: i32, %arg1: memref<1000x128xf32, #tpu.memory_space<vmem>>, %arg2: memref<1x128xf32, #tpu.memory_space<vmem>>, %arg3: memref<1000x64xf32, #tpu.memory_space<vmem>>, %arg4: memref<1000x64xf32, #tpu.memory_space<vmem>>) attributes {dimension_semantics = [#tpu.dimension_semantics<arbitrary>], iteration_bounds = array<i64: 10>, scalar_prefetch = 0 : i64, scratch_operands = 0 : i64, tpu.core_type = #tpu.core_type<tc>, window_params = [{transform_indices = @transform_0, window_bounds = array<i64: 1000, 128>}, {pipeline_mode = #tpu.pipeline_mode<synchronous>, transform_indices = @transform_1, window_bounds = array<i64: 1, 128>}, {transform_indices = @transform_2, window_bounds = array<i64: 1000, 64>}, {transform_indices = @transform_3, window_bounds = array<i64: 1000, 64>}]} {
    %get3A = arith.constant 0 : index
    %get3A_0 = arith.constant 0 : index
    %get3A_1 = vector.load %arg1[%get3A, %get3A_0] : memref<1000x128xf32, #tpu.memory_space<vmem>>, vector<1000x128xf32>
    %get3A_2 = arith.constant 0 : index
    %get3A_3 = arith.constant 0 : index
    %get3A_4 = vector.load %arg2[%get3A_2, %get3A_3] : memref<1x128xf32, #tpu.memory_space<vmem>>, vector<1x128xf32>
    %mul3A = arith.constant 9.99999974E-5 : f32
    %mul3A_5 = vector.broadcast %mul3A : f32 to vector<1x128xf32>
    %mul3A_6 = arith.mulf %get3A_4, %mul3A_5 : vector<1x128xf32>
    %sub3A = vector.broadcast %mul3A_6 : vector<1x128xf32> to vector<1000x128xf32>
    %sub3A_7 = arith.subf %get3A_1, %sub3A : vector<1000x128xf32>
    %slice3A = vector.extract_strided_slice %sub3A_7 {offsets = [0, 0], sizes = [1000, 64], strides = [1, 1]} : vector<1000x128xf32> to vector<1000x64xf32>
    %swap3A = arith.constant 0 : index
    %swap3A_8 = arith.constant 0 : index
    %swap3A_9 = vector.load %arg3[%swap3A, %swap3A_8] : memref<1000x64xf32, #tpu.memory_space<vmem>>, vector<1000x64xf32>
    tpu.vector_store %arg3[%swap3A, %swap3A_8], %slice3A {strides = array<i32>} : memref<1000x64xf32, #tpu.memory_space<vmem>>, vector<1000x64xf32>,
    %slice3A_10 = vector.extract_strided_slice %sub3A_7 {offsets = [0, 64], sizes = [1000, 64], strides = [1, 1]} : vector<1000x128xf32> to vector<1000x64xf32>
    %swap3A_11 = arith.constant 0 : index
    %swap3A_12 = arith.constant 0 : index
    %swap3A_13 = vector.load %arg4[%swap3A_11, %swap3A_12] : memref<1000x64xf32, #tpu.memory_space<vmem>>, vector<1000x64xf32>
    tpu.vector_store %arg4[%swap3A_11, %swap3A_12], %slice3A_10 {strides = array<i32>} : memref<1000x64xf32, #tpu.memory_space<vmem>>, vector<1000x64xf32>,
    return
  }
  func.func @transform_0(%arg0: i32) -> (i32, i32) {
    %c0_i32 = arith.constant 0 : i32
    %c0_i32_0 = arith.constant 0 : i32
    return %arg0, %c0_i32 : i32, i32
  }
  func.func @transform_1(%arg0: i32) -> (i32, i32) {
    %c0_i32 = arith.constant 0 : i32
    %c0_i32_0 = arith.constant 0 : i32
    %c0_i32_1 = arith.constant 0 : i32
    return %c0_i32, %c0_i32_0 : i32, i32
  }
  func.func @transform_2(%arg0: i32) -> (i32, i32) {
    %c0_i32 = arith.constant 0 : i32
    %c0_i32_0 = arith.constant 0 : i32
    return %arg0, %c0_i32 : i32, i32
  }
  func.func @transform_3(%arg0: i32) -> (i32, i32) {
    %c0_i32 = arith.constant 0 : i32
    %c0_i32_0 = arith.constant 0 : i32
    return %arg0, %c0_i32 : i32, i32
  }
}

module attributes {stable_mosaic.version = 14 : i64} {
  func.func @_matmul_body(%arg0: i32, %arg1: memref<1000x128xf32, #tpu.memory_space<vmem>>, %arg2: memref<128x128xf32, #tpu.memory_space<vmem>>, %arg3: memref<1x128xf32, #tpu.memory_space<vmem>>, %arg4: memref<1000x128xf32, #tpu.memory_space<vmem>>) attributes {dimension_semantics = [#tpu.dimension_semantics<arbitrary>], iteration_bounds = array<i64: 10>, scalar_prefetch = 0 : i64, scratch_operands = 0 : i64, tpu.core_type = #tpu.core_type<tc>, window_params = [{transform_indices = @transform_0, window_bounds = array<i64: 1000, 128>}, {pipeline_mode = #tpu.pipeline_mode<synchronous>, transform_indices = @transform_1, window_bounds = array<i64: 128, 128>}, {pipeline_mode = #tpu.pipeline_mode<synchronous>, transform_indices = @transform_2, window_bounds = array<i64: 1, 128>}, {transform_indices = @transform_3, window_bounds = array<i64: 1000, 128>}]} {
    %get3A = arith.constant 0 : index
    %get3A_0 = arith.constant 0 : index
    %get3A_1 = vector.load %arg1[%get3A, %get3A_0] : memref<1000x128xf32, #tpu.memory_space<vmem>>, vector<1000x128xf32>
    %get3A_2 = arith.constant 0 : index
    %get3A_3 = arith.constant 0 : index
    %get3A_4 = vector.load %arg2[%get3A_2, %get3A_3] : memref<128x128xf32, #tpu.memory_space<vmem>>, vector<128x128xf32>
    %dot_general3A = arith.constant dense<0.000000e+00> : vector<1000x128xf32>
    %dot_general3A_5 = tpu.matmul %get3A_1, %get3A_4, %dot_general3A {dimension_numbers = #tpu.dot_dimension_numbers<[1], [0], [0], [1], [0, 0, 1, 1], [], []>, transpose_lhs_hint = false} : vector<1000x128xf32>, vector<128x128xf32>, vector<1000x128xf32> -> vector<1000x128xf32>
    %get3A_6 = arith.constant 0 : index
    %get3A_7 = arith.constant 0 : index
    %get3A_8 = vector.load %arg3[%get3A_6, %get3A_7] : memref<1x128xf32, #tpu.memory_space<vmem>>, vector<1x128xf32>
    %add3A = vector.broadcast %get3A_8 : vector<1x128xf32> to vector<1000x128xf32>
    %add3A_9 = arith.addf %dot_general3A_5, %add3A : vector<1000x128xf32>
    %swap3A = arith.constant 0 : index
    %swap3A_10 = arith.constant 0 : index
    %swap3A_11 = vector.load %arg4[%swap3A, %swap3A_10] : memref<1000x128xf32, #tpu.memory_space<vmem>>, vector<1000x128xf32>
    tpu.vector_store %arg4[%swap3A, %swap3A_10], %add3A_9 {strides = array<i32>} : memref<1000x128xf32, #tpu.memory_space<vmem>>, vector<1000x128xf32>,
    return
  }
  func.func @transform_0(%arg0: i32) -> (i32, i32) {
    %c0_i32 = arith.constant 0 : i32
    %c0_i32_0 = arith.constant 0 : i32
    return %arg0, %c0_i32 : i32, i32
  }
  func.func @transform_1(%arg0: i32) -> (i32, i32) {
    %c0_i32 = arith.constant 0 : i32
    %c0_i32_0 = arith.constant 0 : i32
    %c0_i32_1 = arith.constant 0 : i32
    return %c0_i32, %c0_i32_0 : i32, i32
  }
  func.func @transform_2(%arg0: i32) -> (i32, i32) {
    %c0_i32 = arith.constant 0 : i32
    %c0_i32_0 = arith.constant 0 : i32
    %c0_i32_1 = arith.constant 0 : i32
    return %c0_i32, %c0_i32_0 : i32, i32
  }
  func.func @transform_3(%arg0: i32) -> (i32, i32) {
    %c0_i32 = arith.constant 0 : i32
    %c0_i32_0 = arith.constant 0 : i32
    return %arg0, %c0_i32 : i32, i32
  }
}

</mosaic_0001>

<sc_bundles>
// kernel: kernel.6.cloned.1.call-start
scs
__scs_entry_jumppad:
0x0: {  	(pc) =	sbr.rel $0x88, $3  }
0x1: {  	(tag) =	ssettag $0x0;
	lr =	simm.s32 $0x1  }
0x2: {  	[smem:$0x3F9D] =	sst lr;
	_ =	strace $0xD0000000  }
0x3: {  	_ = 	snop  }
0x4: {  	_ = 	snop  }
0x5: {  	_ = 	snop  }
0x6: {  	_ = 	snop  }
0x7: {  	_ = 	snop  }
__scs_overlays_trampoline_lowered:
0x8: {  	[smem:$0x3FAC] =	sst s0  }
0x9: {  	[smem:$0x3FAD] =	sst s1  }
0xa: {  	[smem:$0x3FAE] =	sst s2  }
0xb: {  	[smem:$0x3FAF] =	sst s3  }
0xc: {  	[smem:$0x3FB0] =	sst s4  }
0xd: {  	[smem:$0x3FB1] =	sst s5  }
0xe: {  	[smem:$0x3FB2] =	sst s6  }
0xf: {  	[smem:$0x3FB3] =	sst s7  }
0x10: {  	[smem:$0x3FB4] =	sst s8  }
0x11: {  	[smem:$0x3FB5] =	sst s9;
	s0 =	simm.s32 @!p0 $0x0  }
0x12: {  	s1 =	sld [smem:$0x3F9B];
	s0 =	simm.s32 @p0 $0x1  }
0x13: {  	[smem:$0x3FB6] =	sst s0;
	s0 =	simm.s32 @!p1 $0x0  }
0x14: {  	s2 =	sld [smem:$0x3F9A];
	s0 =	simm.s32 @p1 $0x1  }
0x15: {  	[smem:$0x3FB7] =	sst s0;
	s0 =	simm.s32 @!p2 $0x0  }
0x16: {  	s3 =	sld [smem:$0x3FDB];
	s0 =	simm.s32 @p2 $0x1  }
0x17: {  	s4 =	simm.s32 $0x1BF5;
	[smem:$0x3FB9] =	sst s0  }
0x18: {  	s0 =	sld [smem:$0x3F9C];
	_ =	swait.ge [sflag:s4], $0x0  }
0x19: {  	s7 =	sld [smem:$0x3F9D]  }
0x1a: {  	s8 =	sadd.s32 $0xFFFFE003, lr  }
0x1b: {  	s9 =	sadd.s32 $0xFFFFFEF7, lr;
	s5 =	simm.s32 $0xFFFFFFFF;
	p2 =	slt.u32 s8, $0xFFFFF086  }
0x1c: {  	p1 =	slt.u32 s9, $0xF7A;
	s5 =	simm.s32 @!p2 $0x0  }
0x1d: {  	s5 =	simm.s32 @p1 $0x1;
	p0 =	seq.s32 s7, s2  }
0x1e: {  	s7 =	smul.u32 @!p0 $0xF7A, s2;
	p2 =	seq.s32 @!p0 s5, $0x0  }
0x1f: {  	s9 =	smul.u32 $0xF7A, s1;
	s8 =	simm.s32 @!p0 $0x1BF5;
	p2 =	por !p2, p0  }
0x20: {  	[sflag:s8] =	ssyncset.s32 @!p0 $0xFFFFF086;
	s6 =	sadd.s32 @!p0 s3, s7;
	s7 =	simm.s32 @!p0 $0x108  }
0x21: {  	s3 =	sadd.s32 s3, s9;
	s6 =	sadd.s32 @!p0 $0x88, s6;
	s7 =	simm.s32 @p2 $0x1082  }
0x22: {  	[simem:s7], [sflag:s8] =	dma.local @!p0 [hbm:s6], $0xF7A  }
0x23: {  	s9 =	sor.u32 $0xD0000000, s2;
	s6 =	simm.s32 $0x108;
	_ =	swait.ge @!p0 [sflag:s8], $0x0  }
0x24: {  	s3 =	sadd.s32 $0x88, s3;
	s6 =	simm.s32 @!p1 $0x1082;
	[sflag:s4] =	ssyncset.s32 $0xFFFFF086  }
0x25: {  	[simem:s6], [sflag:s4] =	dma.local [hbm:s3], $0xF7A  }
0x26: {  	[smem:$0x3F9D] =	sst s1;
	(tag) =	ssettag s2;
	_ =	strace s9  }
0x27: {  	s1 =	sld [smem:$0x3FAD]  }
0x28: {  	s2 =	sld [smem:$0x3FAE]  }
0x29: {  	s4 =	sld [smem:$0x3FB0]  }
0x2a: {  	p0 =	seq.s32 s5, $0x0;
	s5 =	sld [smem:$0x3FB1]  }
0x2b: {  	s6 =	sld [smem:$0x3FB2]  }
0x2c: {  	s7 =	sld [smem:$0x3FB3]  }
0x2d: {  	s3 =	simm.s32 $0x108;
	s8 =	sld [smem:$0x3FB4]  }
0x2e: {  	s3 =	simm.s32 @!p0 $0x1082;
	s9 =	sld [smem:$0x3FB5]  }
0x2f: {  	lr =	sadd.s32 s0, s3;
	s0 =	sld [smem:$0x3FAC]  }
0x30: {  	s3 =	sld [smem:$0x3FAF]  }
0x31: {  	[smem:$0x3FB8] =	sst s10  }
0x32: {  	s10 =	sld [smem:$0x3FB6];
	_ =	sdelay $0x3  }
0x33: {  	p0 =	seq.s32 s10, $0x1;
	s10 =	sld [smem:$0x3FB8];
	_ =	sdelay $0x3  }
0x34: {  	[smem:$0x3FB8] =	sst s10  }
0x35: {  	s10 =	sld [smem:$0x3FB7];
	_ =	sdelay $0x3  }
0x36: {  	p1 =	seq.s32 s10, $0x1;
	s10 =	sld [smem:$0x3FB8];
	_ =	sdelay $0x3  }
0x37: {  	[smem:$0x3FB8] =	sst s10  }
0x38: {  	s10 =	sld [smem:$0x3FB9]  }
0x39: {  	_ = 	snop;
	(pc) =	sbr.ind lr, $3  }
0x3a: {  	_ = 	snop  }
0x3b: {  	_ = 	snop  }
0x3c: {  	p2 =	seq.s32 s10, $0x1;
	s10 =	sld [smem:$0x3FB8]  }
0x3d: {  	_ =	shalt  }
0x3e: {  	_ =	shalt  }
0x3f: {  	_ =	shalt  }
0x40: {  	_ =	shalt  }
0x41: {  	_ =	shalt  }
0x42: {  	_ =	shalt  }
0x43: {  	_ =	shalt  }
0x44: {  	_ =	shalt  }
0x45: {  	_ =	shalt  }
0x46: {  	_ =	shalt  }
0x47: {  	_ =	shalt  }
0x48: {  	_ =	shalt  }
0x49: {  	_ =	shalt  }
0x4a: {  	_ =	shalt  }
0x4b: {  	_ =	shalt  }
0x4c: {  	_ =	shalt  }
0x4d: {  	_ =	shalt  }
0x4e: {  	_ =	shalt  }
0x4f: {  	_ =	shalt  }
0x50: {  	_ =	shalt  }
0x51: {  	_ =	shalt  }
0x52: {  	_ =	shalt  }
0x53: {  	_ =	shalt  }
0x54: {  	_ =	shalt  }
0x55: {  	_ =	shalt  }
0x56: {  	_ =	shalt  }
0x57: {  	_ =	shalt  }
0x58: {  	_ =	shalt  }
0x59: {  	_ =	shalt  }
0x5a: {  	_ =	shalt  }
0x5b: {  	_ =	shalt  }
0x5c: {  	_ =	shalt  }
0x5d: {  	_ =	shalt  }
0x5e: {  	_ =	shalt  }
0x5f: {  	_ =	shalt  }
0x60: {  	_ =	shalt  }
0x61: {  	_ =	shalt  }
0x62: {  	_ =	shalt  }
0x63: {  	_ =	shalt  }
0x64: {  	_ =	shalt  }
0x65: {  	_ =	shalt  }
0x66: {  	_ =	shalt  }
0x67: {  	_ =	shalt  }
0x68: {  	_ =	shalt  }
0x69: {  	_ =	shalt  }
0x6a: {  	_ =	shalt  }
0x6b: {  	_ =	shalt  }
0x6c: {  	_ =	shalt  }
0x6d: {  	_ =	shalt  }
0x6e: {  	_ =	shalt  }
0x6f: {  	_ =	shalt  }
0x70: {  	_ =	shalt  }
0x71: {  	_ =	shalt  }
0x72: {  	_ =	shalt  }
0x73: {  	_ =	shalt  }
0x74: {  	_ =	shalt  }
0x75: {  	_ =	shalt  }
0x76: {  	_ =	shalt  }
0x77: {  	_ =	shalt  }
0x78: {  	_ =	shalt  }
0x79: {  	_ =	shalt  }
0x7a: {  	_ =	shalt  }
0x7b: {  	_ =	shalt  }
0x7c: {  	_ =	shalt  }
0x7d: {  	_ =	shalt  }
0x7e: {  	_ =	shalt  }
0x7f: {  	_ =	shalt  }
0x80: {  	_ =	shalt  }
0x81: {  	_ =	shalt  }
0x82: {  	_ =	shalt  }
0x83: {  	_ =	shalt  }
0x84: {  	_ =	shalt  }
0x85: {  	_ =	shalt  }
0x86: {  	_ =	shalt  }
0x87: {  	_ =	shalt  }
.Lfunc_end0:
.L_simem_size_0:
called_computation_lowered:
.L_overlay_start_0:
0x88: {  	s2 =	sld [smem:$0x3FD9]  }
0x89: {  	s3 =	sld [smem:$0x3FFE];
	_ =	sdelay $0x1  }
0x8a: {  	s1 =	srdreg.scid  }
0x8b: {  	s0 =	sand.u32 $0x1, s1  }
0x8c: {  	s17 =	sshll.u32 s0, $0xA;
	s2 =	sadd.s32 s3, s2  }
0x8d: {  	s2 =	sadd.s32 s2, s17  }
0x8e: {  	[smem:$0x3FC4] =	sst s2  }
0x8f: {  	_ = 	snop  }
0x90: {  	s2 =	sld [smem:$0x3FD0];
	(tm) =	ssettm $0x1  }
0x91: {  	s18 =	sld [smem:$0x3FFB];
	_ =	sdelay $0x3  }
0x92: {  	_ =	strace s18  }
0x93: {  	s3 =	sld [smem:$0x3FFC];
	_ =	sdelay $0x3  }
0x94: {  	_ =	strace s3  }
0x95: {  	s3 =	sld [smem:$0x3FFD];
	_ =	sdelay $0x3  }
0x96: {  	_ =	strace s3  }
0x97: {  	_ =	strace $0x8FFFFFFF  }
0x98: {  	s19 =	sld [smem:$0x3FDB];
	_ =	sdelay $0x1  }
0x99: {  	s4 =	simm.s32 $_scs_section_size  }
0x9a: {  	s5 =	simm.s32 $_size__tile_overlayer_lowered;
	s6 =	simm.s32 $_tile_overlayer_lowered  }
0x9b: {  	s22 =	simm.s32 $0x1BFF;
	s21 =	sshll.u32 s6, $0x1;
	s3 =	sadd.s32 s4, s19  }
0x9c: {  	s7 =	simm.s32 $0x0;
	s20 =	sshll.u32 s5, $0x1;
	s5 =	sadd.s32 s21, s3  }
0x9d: {  	[timem:s7], [sflag:s22] =	dma.local [hbm:s5], s20  }
0x9e: {  	_ =	swait.ge [sflag:s22], s20  }
0x9f: {  	s4 =	ssub.s32 $0x0, s20;
	[sflag:s22] =	ssyncset.done $0x0  }
0xa0: {  	[sflag:s22] =	ssyncadd.s32 s4;
	_ =	sdelay $0x1  }
0xa1: {  	s23 =	simm.s32 $0x1B8B  }
0xa2: {  	_ =	swait.ge [sflag:s23], $0x1  }
0xa3: {  	[sflag:s23] =	ssyncset.done $0x0  }
0xa4: {  	s25 =	simm.s32 $0x1B8E;
	s24 =	sld [smem:$0x3FFE];
	[sflag:s23] =	ssyncadd.s32 $0xFFFFFFFF  }
0xa5: {  	s26 =	simm.s32 $execute0_lowered;
	[smem:$0x3FD2] =	sst s25  }
0xa6: {  	s5 =	sshll.u32 s26, $0x1;
	_ =	strace $0x80000046;
	[dreg:$0x1] =	wrdreg $0xFFFFFFFF  }
0xa7: {  	s28 =	simm.s32 $_size_execute0_lowered;
	s3 =	sadd.s32 s3, s5;
	[dreg:$0x0] =	wrdreg $0x0  }
0xa8: {  	s5 =	sshll.u32 s28, $0x1;
	[dreg:$0x2] =	wrdreg s3  }
0xa9: {  	[dreg:$0x3] =	wrdreg s5  }
0xaa: {  	[dreg:$0x4] =	wrdreg $0xC0  }
0xab: {  	_ =	task [dreg:s7], $0x5FFFF  }
0xac: {  	[dreg:$0x1] =	wrdreg $0xFFFFFFFF  }
0xad: {  	[dreg:$0x0] =	wrdreg $0x60  }
0xae: {  	[dreg:$0x2] =	wrdreg s24  }
0xaf: {  	[dreg:$0x3] =	wrdreg s2  }
0xb0: {  	[dreg:$0x4] =	wrdreg $0x0  }
0xb1: {  	[dreg:$0x5] =	wrdreg $0x9  }
0xb2: {  	_ =	task.clear_ibuf [dreg:s7], $0x6FFFF;
	_ =	strace $0x90000046  }
0xb3: {  	s29 =	simm.s32 $0x9;
	_ =	strace $0x80000048  }
0xb4: {  	_ =	swait.ge [sflag:s29], $0x1  }
0xb5: {  	[sflag:s29] =	ssyncadd.s32 $0xFFFFFFFF  }
0xb6: {  	_ =	strace $0x90000048  }
0xb7: {  	_ =	sfence  }
0xb8: {  	s30 =	sld [smem:$0x0];
	_ =	sdelay $0x2  }
0xb9: {  	s31 =	sshll.u32 s1, $0xD;
	s1 =	sshrl.u32 s1, $0x2  }
0xba: {  	s3 =	sand.u32 $0x4000, s31;
	s1 =	sadd.s32 s1, s30  }
0xbb: {  	s0 =	sor.u32 s3, s0;
	s1 =	sshll.u32 s1, $0x11  }
0xbc: {  	s0 =	sor.u32 s1, s0  }
0xbd: {  	s0 =	sadd.s32 $0x8F2B, s0  }
0xbe: {  	[sflag:s0] =	ssyncadd.remote.s32 $0x1  }
0xbf: {  	_ =	sfence.sel $0xFFFF  }
0xc0: {  	[dreg:$0x0] =	wrdreg $0xFFFFFFFF;
	(pc) =	sbr.abs _section_cstart, $3  }
0xc1: {  	[dreg:$0x1] =	wrdreg $0xFFFFFFFF  }
0xc2: {  	_ =	task.clear_ibuf [dreg:s7], $0x2FFFF;
	_ =	strace $0x9FFFFFFF  }
0xc3: {  	(tm) =	ssettm $0x7FFFFFFF  }
tec
execute0_lowered:
.L_overlay_start_1:
0x0: {  	(tag) =	ssettag $0x1  }
0x1: {  	s0 =	rddreg [dreg:$0x0]  }
0x2: {  	s1 =	rddreg [dreg:$0x1]  }
0x3: {  	s2 =	rddreg [dreg:$0x2];
	s13 =	stileid.u32  }
0x4: {  	s4 =	srdreg.scid;
	s7 =	smul.u32 $0x4F00, s13  }
0x5: {  	s3 =	simm.s32 $0x0;
	s6 =	sand.u32 $0x1, s4;
	s5 =	smul.u32 $0x280, s13  }
0x6: {  	[smem:$0x7FF] =	sst s3;
	s4 =	sadd.s32 $0x800, s0;
	s13 =	smul.u32 $0x28000, s13  }
0x7: {  	s8 =	smul.u32 $0x2800, s6;
	_ =	strace $0x80000047;
	s10 =	ssub.s32 $0x2, s6  }
0x8: {  	s11 =	smul.u32 $0x4F000, s6;
	s6 =	sadd.s32 $0x32600, s0;
	s9 =	sshrl.u32 s7, $0x3  }
0x9: {  	s12 =	sshrl.u32 s10, $0x1;
	s31 =	sshrl.u32 s13, $0x2;
	s9 =	sadd.s32 s9, s0  }
0xa: {  	s28 =	ssub.s32 s10, s12;
	s29 =	sadd.s32 s7, s11;
	s11 =	sadd.s32 $0x28800, s9  }
0xb: {  	s10 =	sadd.s32 s31, s2;
	s0 =	smax.u32 s28, $0x1;
	[dreg:$0x5] =	wrdreg s11  }
0xc: {  	s12 =	sadd.s32 $0x800, s10;
	[dreg:$0x6] =	wrdreg s0  }
0xd: {  	s13 =	sadd.s32 $0x1000, s10;
	[dreg:$0x7] =	wrdreg s12  }
0xe: {  	s14 =	sadd.s32 $0x1800, s10;
	[dreg:$0x8] =	wrdreg s13  }
0xf: {  	s15 =	sadd.s32 $0x2000, s10;
	[dreg:$0x9] =	wrdreg s14  }
0x10: {  	s16 =	sadd.s32 $0x2800, s10;
	[dreg:$0xa] =	wrdreg s15  }
0x11: {  	s17 =	sadd.s32 $0x3000, s10;
	[dreg:$0xb] =	wrdreg s16  }
0x12: {  	s18 =	sadd.s32 $0x3800, s10;
	[dreg:$0xc] =	wrdreg s17  }
0x13: {  	s19 =	sadd.s32 $0x4000, s10;
	[dreg:$0xd] =	wrdreg s18  }
0x14: {  	s20 =	sadd.s32 $0x4800, s10;
	[dreg:$0xe] =	wrdreg s19  }
0x15: {  	s21 =	sadd.s32 $0x5000, s10;
	[dreg:$0xf] =	wrdreg s20  }
0x16: {  	s22 =	sadd.s32 $0x5800, s10;
	[dreg:$0x10] =	wrdreg s21  }
0x17: {  	s23 =	sadd.s32 $0x6000, s10;
	[dreg:$0x11] =	wrdreg s22  }
0x18: {  	s24 =	sadd.s32 $0x6800, s10;
	[dreg:$0x12] =	wrdreg s23  }
0x19: {  	s25 =	sadd.s32 $0x7000, s10;
	[dreg:$0x13] =	wrdreg s24  }
0x1a: {  	s7 =	sadd.s32 s5, s8;
	s26 =	sadd.s32 $0x7800, s10;
	[dreg:$0x14] =	wrdreg s25  }
0x1b: {  	s8 =	simm.s32 $0x17E00;
	s28 =	sadd.s32 $0x8000, s10;
	[dreg:$0x15] =	wrdreg s26  }
0x1c: {  	s30 =	sshrl.u32 s29, $0x3;
	s29 =	sadd.s32 $0x8800, s10;
	[dreg:$0x16] =	wrdreg s28  }
0x1d: {  	s31 =	sadd.s32 $0x9800, s10;
	s9 =	simm.s32 $0x80;
	[dreg:$0x17] =	wrdreg s29  }
0x1e: {  	s1 =	sadd.s32 s1, s30;
	s30 =	sadd.s32 $0x9000, s10;
	[dreg:$0x19] =	wrdreg s31  }
0x1f: {  	s0 =	simm.s32 $0xA000;
	s11 =	simm.s32 $0x13E00;
	s12 =	simm.s32 $0x1CE00  }
0x20: {  	s13 =	simm.s32 $0xA080;
	s14 =	simm.s32 $0x15E00;
	s15 =	simm.s32 $0x1  }
0x21: {  	s16 =	simm.s32 $0x2;
	s17 =	simm.s32 $0x13D00;
	s18 =	simm.s32 $0x13D80  }
0x22: {  	s19 =	simm.s32 $0x1AE00;
	s20 =	simm.s32 $0x1BE00;
	[dreg:$0x4] =	wrdreg s1  }
0x23: {  	v0 =	vimm.f32 $0.0e+00;
	v1 =	vimm.f32 $1.000000000e+00;
	s21 =	simm.s32 $0x0;
	[dreg:$0x18] =	wrdreg s30;
	s1 =	simm.s32 $0x3  }
.LBB2_1:
0x24: {  	s22 =	rddreg [dreg:$0x4]  }
0x25: {  	[tilespmem:s0], [sflag:$0x3] =	stream.linear.gather [hbm4b:s22+s3], $0x4F00, $0x38;
	[tilespmem:$0x1DE00] =	vst v63  }
0x26: {  	_ =	swait.ge [sflag:s1], $0x4F00  }
0x27: {  	[sflag:s1] =	ssyncset.done $0x0  }
0x28: {  	s23 =	simm.s32 $0xEF00;
	s31 =	rddreg [dreg:$0x5];
	[sflag:s1] =	ssyncadd.s32 $0xFFFFB100  }
0x29: {  	[tilespmem:s23], [sflag:$0x3] =	stream.linear.gather [hbm4b:s31+s3], $0x4F00, $0x38;
	[tilespmem:$0x1DE00] =	vst v63  }
0x2a: {  	_ =	swait.ge [sflag:s1], $0x4F00  }
0x2b: {  	[sflag:s1] =	ssyncset.done $0x0  }
0x2c: {  	s22 =	simm.s32 $0x0;
	[sflag:s1] =	ssyncadd.s32 $0xFFFFB100  }
.LBB2_2:
0x2d: {  	p0 =	sne.s32 s22, $0x1F00  }
.Ltmp0:
0x2e: {  	s23 =	sshra.s32 s22, $0x2;
	(pc) =	sbr.rel @p0 .LBB2_2-.Ltmp0, $4  }
0x2f: {  	[tilespmem:s23+$0x17E00] =	vst v0  }
0x30: {  	[tilespmem:s23+$0x17E10] =	vst v0  }
0x31: {  	[tilespmem:s23+$0x17E20] =	vst v0  }
0x32: {  	s22 =	sadd.s32 $0x100, s22;
	[tilespmem:s23+$0x17E30] =	vst v0  }
0x33: {  	s23 =	simm.s32 $0x100;
	s22 =	simm.s32 $0x0  }
.LBB2_4:
0x34: {  	p0 =	sne.s32 s23, $0x7F00;
	[tilespmem:s22+$0x13E30] =	vst v1;
	s24 =	smov.u32 s23;
	s23 =	sadd.s32 $0x100, s23  }
.Ltmp1:
0x35: {  	[tilespmem:s22+$0x13E20] =	vst v1;
	(pc) =	sbr.rel @p0 .LBB2_4-.Ltmp1, $3  }
0x36: {  	[tilespmem:s22+$0x13E00] =	vst v1  }
0x37: {  	[tilespmem:s22+$0x13E10] =	vst v1;
	_ =	sdelay $0x1  }
0x38: {  	s22 =	sshra.s32 s24, $0x2  }
0x39: {  	[tilespmem:s22+$0x13E30] =	vst v1  }
0x3a: {  	[tilespmem:s22+$0x13E20] =	vst v1  }
0x3b: {  	[tilespmem:s22+$0x13E00] =	vst v1  }
0x3c: {  	[tilespmem:s22+$0x13E10] =	vst v1  }
0x3d: {  	[spmem:s10] =	stream.linear.scatter [tilespmem:s8], [sflag:$0x3], $0x800, $0x38;
	[tilespmem:$0x1DE00] =	vst v63  }
0x3e: {  	_ =	swait.ge [sflag:s1], $0x800  }
0x3f: {  	[sflag:s1] =	ssyncset.done $0x0  }
0x40: {  	s28 =	rddreg [dreg:$0x7];
	[sflag:s1] =	ssyncadd.s32 $0xFFFFF800  }
0x41: {  	[spmem:s28] =	stream.linear.scatter [tilespmem:s8], [sflag:$0x3], $0x800, $0x38;
	[tilespmem:$0x1DE00] =	vst v63  }
0x42: {  	_ =	swait.ge [sflag:s1], $0x800  }
0x43: {  	[sflag:s1] =	ssyncset.done $0x0  }
0x44: {  	s29 =	rddreg [dreg:$0x8];
	[sflag:s1] =	ssyncadd.s32 $0xFFFFF800  }
0x45: {  	[spmem:s29] =	stream.linear.scatter [tilespmem:s8], [sflag:$0x3], $0x800, $0x38;
	[tilespmem:$0x1DE00] =	vst v63  }
0x46: {  	_ =	swait.ge [sflag:s1], $0x800  }
0x47: {  	[sflag:s1] =	ssyncset.done $0x0  }
0x48: {  	s30 =	rddreg [dreg:$0x9];
	[sflag:s1] =	ssyncadd.s32 $0xFFFFF800  }
0x49: {  	[spmem:s30] =	stream.linear.scatter [tilespmem:s8], [sflag:$0x3], $0x800, $0x38;
	[tilespmem:$0x1DE00] =	vst v63  }
0x4a: {  	_ =	swait.ge [sflag:s1], $0x800  }
0x4b: {  	[sflag:s1] =	ssyncset.done $0x0  }
0x4c: {  	s31 =	rddreg [dreg:$0xa];
	[sflag:s1] =	ssyncadd.s32 $0xFFFFF800  }
0x4d: {  	[spmem:s31] =	stream.linear.scatter [tilespmem:s8], [sflag:$0x3], $0x800, $0x38;
	[tilespmem:$0x1DE00] =	vst v63  }
0x4e: {  	_ =	swait.ge [sflag:s1], $0x800  }
0x4f: {  	[sflag:s1] =	ssyncset.done $0x0  }
0x50: {  	s23 =	rddreg [dreg:$0xb];
	[sflag:s1] =	ssyncadd.s32 $0xFFFFF800  }
0x51: {  	[spmem:s23] =	stream.linear.scatter [tilespmem:s8], [sflag:$0x3], $0x800, $0x38;
	[tilespmem:$0x1DE00] =	vst v63  }
0x52: {  	_ =	swait.ge [sflag:s1], $0x800  }
0x53: {  	[sflag:s1] =	ssyncset.done $0x0  }
0x54: {  	s24 =	rddreg [dreg:$0xc];
	[sflag:s1] =	ssyncadd.s32 $0xFFFFF800  }
0x55: {  	[spmem:s24] =	stream.linear.scatter [tilespmem:s8], [sflag:$0x3], $0x800, $0x38;
	[tilespmem:$0x1DE00] =	vst v63  }
0x56: {  	_ =	swait.ge [sflag:s1], $0x800  }
0x57: {  	[sflag:s1] =	ssyncset.done $0x0  }
0x58: {  	s25 =	rddreg [dreg:$0xd];
	[sflag:s1] =	ssyncadd.s32 $0xFFFFF800  }
0x59: {  	[spmem:s25] =	stream.linear.scatter [tilespmem:s8], [sflag:$0x3], $0x800, $0x38;
	[tilespmem:$0x1DE00] =	vst v63  }
0x5a: {  	_ =	swait.ge [sflag:s1], $0x800  }
0x5b: {  	[sflag:s1] =	ssyncset.done $0x0  }
0x5c: {  	s26 =	rddreg [dreg:$0xe];
	[sflag:s1] =	ssyncadd.s32 $0xFFFFF800  }
0x5d: {  	[spmem:s26] =	stream.linear.scatter [tilespmem:s8], [sflag:$0x3], $0x800, $0x38;
	[tilespmem:$0x1DE00] =	vst v63  }
0x5e: {  	_ =	swait.ge [sflag:s1], $0x800  }
0x5f: {  	[sflag:s1] =	ssyncset.done $0x0  }
0x60: {  	s28 =	rddreg [dreg:$0xf];
	[sflag:s1] =	ssyncadd.s32 $0xFFFFF800  }
0x61: {  	[spmem:s28] =	stream.linear.scatter [tilespmem:s8], [sflag:$0x3], $0x800, $0x38;
	[tilespmem:$0x1DE00] =	vst v63  }
0x62: {  	_ =	swait.ge [sflag:s1], $0x800  }
0x63: {  	[sflag:s1] =	ssyncset.done $0x0  }
0x64: {  	s29 =	rddreg [dreg:$0x10];
	[sflag:s1] =	ssyncadd.s32 $0xFFFFF800  }
0x65: {  	[spmem:s29] =	stream.linear.scatter [tilespmem:s8], [sflag:$0x3], $0x800, $0x38;
	[tilespmem:$0x1DE00] =	vst v63  }
0x66: {  	_ =	swait.ge [sflag:s1], $0x800  }
0x67: {  	[sflag:s1] =	ssyncset.done $0x0  }
0x68: {  	s30 =	rddreg [dreg:$0x11];
	[sflag:s1] =	ssyncadd.s32 $0xFFFFF800  }
0x69: {  	[spmem:s30] =	stream.linear.scatter [tilespmem:s8], [sflag:$0x3], $0x800, $0x38;
	[tilespmem:$0x1DE00] =	vst v63  }
0x6a: {  	_ =	swait.ge [sflag:s1], $0x800  }
0x6b: {  	[sflag:s1] =	ssyncset.done $0x0  }
0x6c: {  	s31 =	rddreg [dreg:$0x12];
	[sflag:s1] =	ssyncadd.s32 $0xFFFFF800  }
0x6d: {  	[spmem:s31] =	stream.linear.scatter [tilespmem:s8], [sflag:$0x3], $0x800, $0x38;
	[tilespmem:$0x1DE00] =	vst v63  }
0x6e: {  	_ =	swait.ge [sflag:s1], $0x800  }
0x6f: {  	[sflag:s1] =	ssyncset.done $0x0  }
0x70: {  	s23 =	rddreg [dreg:$0x13];
	[sflag:s1] =	ssyncadd.s32 $0xFFFFF800  }
0x71: {  	[spmem:s23] =	stream.linear.scatter [tilespmem:s8], [sflag:$0x3], $0x800, $0x38;
	[tilespmem:$0x1DE00] =	vst v63  }
0x72: {  	_ =	swait.ge [sflag:s1], $0x800  }
0x73: {  	[sflag:s1] =	ssyncset.done $0x0  }
0x74: {  	s24 =	rddreg [dreg:$0x14];
	[sflag:s1] =	ssyncadd.s32 $0xFFFFF800  }
0x75: {  	[spmem:s24] =	stream.linear.scatter [tilespmem:s8], [sflag:$0x3], $0x800, $0x38;
	[tilespmem:$0x1DE00] =	vst v63  }
0x76: {  	_ =	swait.ge [sflag:s1], $0x800  }
0x77: {  	[sflag:s1] =	ssyncset.done $0x0  }
0x78: {  	s25 =	rddreg [dreg:$0x15];
	[sflag:s1] =	ssyncadd.s32 $0xFFFFF800  }
0x79: {  	[spmem:s25] =	stream.linear.scatter [tilespmem:s8], [sflag:$0x3], $0x800, $0x38;
	[tilespmem:$0x1DE00] =	vst v63  }
0x7a: {  	_ =	swait.ge [sflag:s1], $0x800  }
0x7b: {  	[sflag:s1] =	ssyncset.done $0x0  }
0x7c: {  	s26 =	rddreg [dreg:$0x16];
	[sflag:s1] =	ssyncadd.s32 $0xFFFFF800  }
0x7d: {  	[spmem:s26] =	stream.linear.scatter [tilespmem:s8], [sflag:$0x3], $0x800, $0x38;
	[tilespmem:$0x1DE00] =	vst v63  }
0x7e: {  	_ =	swait.ge [sflag:s1], $0x800  }
0x7f: {  	[sflag:s1] =	ssyncset.done $0x0  }
0x80: {  	s28 =	rddreg [dreg:$0x17];
	[sflag:s1] =	ssyncadd.s32 $0xFFFFF800  }
0x81: {  	[spmem:s28] =	stream.linear.scatter [tilespmem:s8], [sflag:$0x3], $0x800, $0x38;
	[tilespmem:$0x1DE00] =	vst v63  }
0x82: {  	_ =	swait.ge [sflag:s1], $0x800  }
0x83: {  	[sflag:s1] =	ssyncset.done $0x0  }
0x84: {  	s29 =	rddreg [dreg:$0x18];
	[sflag:s1] =	ssyncadd.s32 $0xFFFFF800  }
0x85: {  	[spmem:s29] =	stream.linear.scatter [tilespmem:s8], [sflag:$0x3], $0x800, $0x38;
	[tilespmem:$0x1DE00] =	vst v63  }
0x86: {  	_ =	swait.ge [sflag:s1], $0x800  }
0x87: {  	[sflag:s1] =	ssyncset.done $0x0  }
0x88: {  	s30 =	rddreg [dreg:$0x19];
	[sflag:s1] =	ssyncadd.s32 $0xFFFFF800  }
0x89: {  	[spmem:s30] =	stream.linear.scatter [tilespmem:s8], [sflag:$0x3], $0x800, $0x38;
	[tilespmem:$0x1DE00] =	vst v63  }
0x8a: {  	_ =	swait.ge [sflag:s1], $0x800  }
0x8b: {  	[sflag:s1] =	ssyncset.done $0x0  }
0x8c: {  	[sflag:s1] =	ssyncadd.s32 $0xFFFFF800  }
0x8d: {  	s31 =	simm.s32 $0xEF00;
	[bflag:$0x0] =	sbarrier.arrive $0xFFFF  }
0x8e: {  	[spmem:s2] =	stream.indirect.scatter.add.f32 [tilespmem:s11], [sflag:$0x3], $0x40, s31, s9, $0xb8;
	[tilespmem:$0x1DE00] =	vst v63  }
0x8f: {  	s22 =	simm.s32 $0x200;
	_ =	swait.ge [sflag:s1], $0x2000  }
.LBB2_6:
0x90: {  	s23 =	sshra.s32 s22, $0x2;
	[sflag:s1] =	ssyncset.done $0x0;
	p0 =	sne.s32 s22, $0x13A00  }
.Ltmp2:
0x91: {  	s23 =	sadd.s32 $0xEF00, s23;
	[sflag:s1] =	ssyncadd.s32 $0xFFFFE000;
	(pc) =	sbr.rel @p0 .LBB2_6-.Ltmp2, $3  }
0x92: {  	[spmem:s2] =	stream.indirect.scatter.add.f32 [tilespmem:s11], [sflag:$0x3], $0x40, s23, s9, $0xb8;
	[tilespmem:$0x1DE00] =	vst v63  }
0x93: {  	s22 =	sadd.s32 $0x200, s22;
	_ =	sdelay $0x1  }
0x94: {  	_ =	swait.ge [sflag:s1], $0x2000  }
0x95: {  	[sflag:s1] =	ssyncset.done $0x0  }
0x96: {  	[sflag:s1] =	ssyncadd.s32 $0xFFFFE000  }
0x97: {  	s22 =	simm.s32 $0x0;
	s23 =	simm.s32 $0x18600;
	[bflag:$0x0] =	sbarrier.arrive $0xFFFF  }
.LBB2_8:
0x98: {  	s24 =	sshll.u32 s22, $0x6  }
0x99: {  	s25 =	sadd.s32 s5, s24  }
0x9a: {  	s25 =	sshll.u32 s25, $0x6  }
0x9b: {  	s25 =	sand.u32 $0x3FFFFFC0, s25  }
0x9c: {  	s26 =	sadd.s32 s25, s2;
	s25 =	simm.s32 $0x1AE00  }
0x9d: {  	[tilespmem:s25], [sflag:$0x3] =	stream.linear.gather [spmem:s26], $0x1000, $0x38;
	[tilespmem:$0x1DE00] =	vst v63  }
0x9e: {  	_ =	swait.ge [sflag:s1], $0x1000  }
0x9f: {  	[sflag:s1] =	ssyncset.done $0x0  }
0xa0: {  	[sflag:s1] =	ssyncadd.s32 $0xFFFFF000  }
0xa1: {  	[spmem:s26] =	stream.linear.scatter [tilespmem:s8], [sflag:$0x3], $0x800, $0x38;
	[tilespmem:$0x1DE00] =	vst v63  }
0xa2: {  	_ =	swait.ge [sflag:s1], $0x800  }
0xa3: {  	[sflag:s1] =	ssyncset.done $0x0  }
0xa4: {  	s26 =	sadd.s32 $0x800, s26;
	[sflag:s1] =	ssyncadd.s32 $0xFFFFF800  }
0xa5: {  	[spmem:s26] =	stream.linear.scatter [tilespmem:s8], [sflag:$0x3], $0x800, $0x38;
	[tilespmem:$0x1DE00] =	vst v63  }
0xa6: {  	_ =	swait.ge [sflag:s1], $0x800  }
0xa7: {  	[sflag:s1] =	ssyncset.done $0x0  }
0xa8: {  	[sflag:s1] =	ssyncadd.s32 $0xFFFFF800  }
0xa9: {  	v2 =	vmov s23;
	s28 =	simm.s32 $0x40;
	s26 =	simm.s32 $0x0;
	v3 =	vld [tilespmem:s25+$0x0]  }
.LBB2_9:
0xaa: {  	p0 =	sne.s32 s28, $0xFC0;
	_ =	sdelay $0x3  }
0xab: {  	v3 =	vadd.f32 $1.000000000e+00, v3;
	_ =	sdelay $0x1  }
0xac: {  	(erf) = vrcp.f32 v3;
	_ =	sdelay $0x6  }
.Ltmp3:
0xad: {  	(pc) =	sbr.rel @p0 .LBB2_9-.Ltmp3, $4  }
0xae: {  	_ = 	snop  }
0xaf: {  	s29 =	sshra.s32 s26, $0x2;
	s26 =	smov.u32 s28;
	v3 =	vpop (erf)  }
0xb0: {  	s25 =	sadd.s32 $0x40, s25;
	[tilespmem:v2+s29+$0x0 ss:$0x1] =	vst.idx.msk $0xffff, v3  }
0xb1: {  	s28 =	sadd.s32 $0x40, s28;
	v3 =	vld [tilespmem:s25+$0x0]  }
0xb2: {  	_ =	sdelay $0x3  }
0xb3: {  	v3 =	vadd.f32 $1.000000000e+00, v3;
	_ =	sdelay $0x1  }
0xb4: {  	(erf) = vrcp.f32 v3;
	_ =	sdelay $0x7  }
0xb5: {  	s24 =	sadd.s32 s7, s24  }
0xb6: {  	s25 =	sshra.s32 s26, $0x2;
	s24 =	sshll.u32 s24, $0x3;
	v3 =	vpop (erf)  }
0xb7: {  	s31 =	sadd.s32 s4, s24;
	[tilespmem:v2+s25+$0x0 ss:$0x1] =	vst.idx.msk $0xffff, v3  }
0xb8: {  	[tilespmem:s12], [sflag:$0x3] =	stream.linear.gather [hbm4b:s31+s3], $0x1000, $0x38;
	[tilespmem:$0x1DE00] =	vst v63  }
0xb9: {  	s22 =	sadd.s32 $0x1, s22;
	_ =	swait.ge [sflag:s1], $0x1000  }
0xba: {  	p0 =	sne.s32 s22, $0xA;
	[sflag:s1] =	ssyncset.done $0x0  }
.Ltmp4:
0xbb: {  	s24 =	sadd.s32 s6, s24;
	[sflag:s1] =	ssyncadd.s32 $0xFFFFF000;
	(pc) =	sbr.rel @p0 .LBB2_8-.Ltmp4, $4  }
0xbc: {  	[hbm4b:s24+s3] =	stream.linear.scatter [tilespmem:s12], [sflag:$0x3], $0x1000, $0x38;
	[tilespmem:$0x1DE00] =	vst v63  }
0xbd: {  	_ =	swait.ge [sflag:s1], $0x1000  }
0xbe: {  	[sflag:s1] =	ssyncset.done $0x0  }
0xbf: {  	s23 =	sadd.s32 $0x400, s23;
	[sflag:s1] =	ssyncadd.s32 $0xFFFFF000  }
0xc0: {  	[bflag:$0x0] =	sbarrier.arrive $0xFFFF;
	s22 =	simm.s32 $0x0  }
.LBB2_12:
0xc1: {  	[tilespmem:s11], [sflag:$0x1] =	stream.indirect.gather [hbm4b:s6+s9], $0x40, s0, s9, $0xb8;
	[tilespmem:$0x1DE00] =	vst v63  }
0xc2: {  	_ = 	snop  }
0xc3: {  	[tilespmem:s14], [sflag:$0x2] =	stream.indirect.gather [hbm4b:s6+s9], $0x40, s13, s9, $0xb8;
	[tilespmem:$0x1DE00] =	vst v63  }
0xc4: {  	_ =	swait.ge [sflag:s15], $0x2000  }
0xc5: {  	[sflag:s15] =	ssyncset.done $0x0  }
0xc6: {  	s23 =	simm.s32 $0xEF00;
	[sflag:s15] =	ssyncadd.s32 $0xFFFFE000  }
0xc7: {  	[spmem:s2] =	stream.indirect.scatter.add.f32 [tilespmem:s11], [sflag:$0x3], $0x40, s23, s9, $0xb8;
	[tilespmem:$0x1DE00] =	vst v63  }
0xc8: {  	_ =	swait.ge [sflag:s1], $0x2000  }
0xc9: {  	[sflag:s1] =	ssyncset.done $0x0  }
0xca: {  	s30 =	simm.s32 $0xA100;
	[sflag:s1] =	ssyncadd.s32 $0xFFFFE000  }
0xcb: {  	[tilespmem:s11], [sflag:$0x1] =	stream.indirect.gather [hbm4b:s6+s9], $0x40, s30, s9, $0xb8;
	[tilespmem:$0x1DE00] =	vst v63  }
0xcc: {  	_ =	swait.ge [sflag:s16], $0x2000  }
0xcd: {  	[sflag:s16] =	ssyncset.done $0x0  }
0xce: {  	s31 =	simm.s32 $0xEF80;
	[sflag:s16] =	ssyncadd.s32 $0xFFFFE000  }
0xcf: {  	[spmem:s2] =	stream.indirect.scatter.add.f32 [tilespmem:s14], [sflag:$0x3], $0x40, s31, s9, $0xb8;
	[tilespmem:$0x1DE00] =	vst v63  }
0xd0: {  	_ =	swait.ge [sflag:s1], $0x2000  }
0xd1: {  	[sflag:s1] =	ssyncset.done $0x0  }
0xd2: {  	s24 =	simm.s32 $0xA180;
	s23 =	simm.s32 $0x400;
	[sflag:s1] =	ssyncadd.s32 $0xFFFFE000  }
.LBB2_13:
0xd3: {  	[tilespmem:s14], [sflag:$0x2] =	stream.indirect.gather [hbm4b:s6+s9], $0x40, s24, s9, $0xb8;
	[tilespmem:$0x1DE00] =	vst v63  }
0xd4: {  	s24 =	smov.u32 s23  }
0xd5: {  	p0 =	sne.s32 s23, $0x13400;
	s23 =	sadd.s32 $0x400, s23;
	_ =	swait.ge [sflag:s15], $0x2000  }
0xd6: {  	s24 =	sshra.s32 s24, $0x2;
	[sflag:s15] =	ssyncset.done $0x0  }
0xd7: {  	s25 =	sadd.s32 $0xEF00, s24;
	[sflag:s15] =	ssyncadd.s32 $0xFFFFE000  }
0xd8: {  	[spmem:s2] =	stream.indirect.scatter.add.f32 [tilespmem:s11], [sflag:$0x3], $0x40, s25, s9, $0xb8;
	[tilespmem:$0x1DE00] =	vst v63  }
0xd9: {  	_ =	swait.ge [sflag:s1], $0x2000  }
0xda: {  	[sflag:s1] =	ssyncset.done $0x0  }
0xdb: {  	s25 =	sadd.s32 $0xA100, s24;
	[sflag:s1] =	ssyncadd.s32 $0xFFFFE000  }
0xdc: {  	[tilespmem:s11], [sflag:$0x1] =	stream.indirect.gather [hbm4b:s6+s9], $0x40, s25, s9, $0xb8;
	[tilespmem:$0x1DE00] =	vst v63  }
0xdd: {  	_ =	swait.ge [sflag:s16], $0x2000  }
0xde: {  	[sflag:s16] =	ssyncset.done $0x0  }
.Ltmp5:
0xdf: {  	s25 =	sadd.s32 $0xEF80, s24;
	[sflag:s16] =	ssyncadd.s32 $0xFFFFE000;
	(pc) =	sbr.rel @p0 .LBB2_13-.Ltmp5, $4  }
0xe0: {  	[spmem:s2] =	stream.indirect.scatter.add.f32 [tilespmem:s14], [sflag:$0x3], $0x40, s25, s9, $0xb8;
	[tilespmem:$0x1DE00] =	vst v63  }
0xe1: {  	_ =	swait.ge [sflag:s1], $0x2000  }
0xe2: {  	[sflag:s1] =	ssyncset.done $0x0  }
0xe3: {  	s24 =	sadd.s32 $0xA180, s24;
	[sflag:s1] =	ssyncadd.s32 $0xFFFFE000  }
0xe4: {  	[tilespmem:s14], [sflag:$0x2] =	stream.indirect.gather [hbm4b:s6+s9], $0x40, s24, s9, $0xb8;
	[tilespmem:$0x1DE00] =	vst v63  }
0xe5: {  	_ =	swait.ge [sflag:s15], $0x2000  }
0xe6: {  	[sflag:s15] =	ssyncset.done $0x0  }
0xe7: {  	[sflag:s15] =	ssyncadd.s32 $0xFFFFE000  }
0xe8: {  	[spmem:s2] =	stream.indirect.scatter.add.f32 [tilespmem:s11], [sflag:$0x3], $0x40, s17, s9, $0xb8;
	[tilespmem:$0x1DE00] =	vst v63  }
0xe9: {  	_ =	swait.ge [sflag:s1], $0x2000  }
0xea: {  	[sflag:s1] =	ssyncset.done $0x0  }
0xeb: {  	[sflag:s1] =	ssyncadd.s32 $0xFFFFE000  }
0xec: {  	_ =	swait.ge [sflag:s16], $0x2000  }
0xed: {  	[sflag:s16] =	ssyncset.done $0x0  }
0xee: {  	[sflag:s16] =	ssyncadd.s32 $0xFFFFE000  }
0xef: {  	[spmem:s2] =	stream.indirect.scatter.add.f32 [tilespmem:s14], [sflag:$0x3], $0x40, s18, s9, $0xb8;
	[tilespmem:$0x1DE00] =	vst v63  }
0xf0: {  	_ =	swait.ge [sflag:s1], $0x2000  }
0xf1: {  	[sflag:s1] =	ssyncset.done $0x0  }
0xf2: {  	s23 =	simm.s32 $0x0;
	[sflag:s1] =	ssyncadd.s32 $0xFFFFE000  }
0xf3: {  	s30 =	simm.s32 $0x18600;
	s25 =	simm.s32 $0x0;
	[bflag:$0x0] =	sbarrier.arrive $0xFFFF  }
.LBB2_15:
0xf4: {  	s24 =	sshll.u32 s25, $0x6  }
0xf5: {  	s26 =	sadd.s32 s5, s24  }
0xf6: {  	s26 =	sshll.u32 s26, $0x6  }
0xf7: {  	s26 =	sand.u32 $0x3FFFFFC0, s26  }
0xf8: {  	s26 =	sadd.s32 s26, s2  }
0xf9: {  	[tilespmem:s19], [sflag:$0x3] =	stream.linear.gather [spmem:s26], $0x1000, $0x38;
	[tilespmem:$0x1DE00] =	vst v63  }
0xfa: {  	_ =	swait.ge [sflag:s1], $0x1000  }
0xfb: {  	[sflag:s1] =	ssyncset.done $0x0  }
0xfc: {  	[sflag:s1] =	ssyncadd.s32 $0xFFFFF000  }
0xfd: {  	[spmem:s26] =	stream.linear.scatter [tilespmem:s8], [sflag:$0x3], $0x800, $0x38;
	[tilespmem:$0x1DE00] =	vst v63  }
0xfe: {  	_ =	swait.ge [sflag:s1], $0x800  }
0xff: {  	[sflag:s1] =	ssyncset.done $0x0  }
0x100: {  	s26 =	sadd.s32 $0x800, s26;
	[sflag:s1] =	ssyncadd.s32 $0xFFFFF800  }
0x101: {  	[spmem:s26] =	stream.linear.scatter [tilespmem:s8], [sflag:$0x3], $0x800, $0x38;
	[tilespmem:$0x1DE00] =	vst v63  }
0x102: {  	s24 =	sadd.s32 s7, s24;
	_ =	swait.ge [sflag:s1], $0x800  }
0x103: {  	s24 =	sshll.u32 s24, $0x3;
	[sflag:s1] =	ssyncset.done $0x0  }
0x104: {  	s31 =	sadd.s32 s4, s24;
	[sflag:s1] =	ssyncadd.s32 $0xFFFFF800  }
0x105: {  	[tilespmem:s20], [sflag:$0x3] =	stream.linear.gather [hbm4b:s31+s23], $0x1000, $0x38;
	[tilespmem:$0x1DE00] =	vst v63  }
0x106: {  	_ =	swait.ge [sflag:s1], $0x1000  }
0x107: {  	[sflag:s1] =	ssyncset.done $0x0  }
0x108: {  	s26 =	sadd.s32 s6, s24;
	[sflag:s1] =	ssyncadd.s32 $0xFFFFF000  }
0x109: {  	[tilespmem:s12], [sflag:$0x3] =	stream.linear.gather [hbm4b:s26+s23], $0x1000, $0x38;
	[tilespmem:$0x1DE00] =	vst v63  }
0x10a: {  	_ =	swait.ge [sflag:s1], $0x1000  }
0x10b: {  	[sflag:s1] =	ssyncset.done $0x0  }
0x10c: {  	s28 =	simm.s32 $0x0;
	[sflag:s1] =	ssyncadd.s32 $0xFFFFF000  }
0x10d: {  	v2 =	vld [tilespmem:s28+$0x1AE30]  }
0x10e: {  	v3 =	vld [tilespmem:s28+$0x1AE10]  }
0x10f: {  	v5 =	vld [tilespmem:s28+$0x1AE20]  }
0x110: {  	v4 =	vld [tilespmem:s28+$0x1BE00]  }
0x111: {  	v7 =	vld [tilespmem:s28+$0x1AE00]  }
0x112: {  	v6 =	vld [tilespmem:s28+$0x1BE20]  }
0x113: {  	v9 =	vld [tilespmem:s28+$0x1CE00]  }
0x114: {  	v10 =	vld [tilespmem:s28+$0x1CE10]  }
0x115: {  	v11 =	vld [tilespmem:s28+$0x1CE20]  }
0x116: {  	v12 =	vld [tilespmem:s30+$0x0]  }
0x117: {  	s29 =	simm.s32 $0x100;
	s24 =	smov.u32 s30;
	v8 =	vld [tilespmem:s28+$0x1BE10]  }
.LBB2_16:
0x118: {  	p0 =	sne.s32 s29, $0x3F00  }
0x119: {  	v13 =	vld [tilespmem:s28+$0x1CE30];
	s24 =	sadd.s32 $0x10, s24;
	s31 =	smov.u32 s29;
	s29 =	sadd.s32 $0x100, s29  }
0x11a: {  	v10 =	vadd.f32 v10, v3;
	v14 =	vld [tilespmem:s28+$0x1BE30]  }
0x11b: {  	v5 =	vadd.f32 v11, v5  }
0x11c: {  	v7 =	vadd.f32 v9, v7;
	v9 =	vmul.f32 $5.000000000e-01, v4;
	s31 =	sshra.s32 s31, $0x2;
	v11 =	vmul.f32 $5.000000000e-01, v12  }
0x11d: {  	v6 =	vmul.f32 $5.000000000e-01, v6;
	v12 =	vld [tilespmem:s31+$0x1AE30]  }
0x11e: {  	v3 =	vld [tilespmem:s31+$0x1AE10];
	v7 =	vmul.f32 v7, v11;
	v15 =	vmul.f32 v5, v11;
	v2 =	vadd.f32 v13, v2  }
0x11f: {  	v8 =	vmul.f32 $5.000000000e-01, v8;
	v10 =	vmul.f32 v10, v11;
	v5 =	vld [tilespmem:s31+$0x1AE20]  }
0x120: {  	v4 =	vld [tilespmem:s31+$0x1BE00];
	v9 =	vadd.f32 v9, v7;
	v16 =	vmul.f32 v2, v11;
	v11 =	vmul.f32 $5.000000000e-01, v14  }
0x121: {  	v8 =	vadd.f32 v8, v10;
	v13 =	vadd.f32 v6, v15;
	v7 =	vld [tilespmem:s31+$0x1AE00]  }
0x122: {  	v6 =	vld [tilespmem:s31+$0x1BE20];
	[tilespmem:s28+$0x1CE00] =	vst v9;
	v14 =	vadd.f32 v11, v16;
	v2 =	vmov v12  }
.Ltmp6:
0x123: {  	v9 =	vld [tilespmem:s31+$0x1CE00];
	[tilespmem:s28+$0x1CE10] =	vst v8;
	(pc) =	sbr.rel @p0 .LBB2_16-.Ltmp6, $4  }
0x124: {  	v10 =	vld [tilespmem:s31+$0x1CE10];
	[tilespmem:s28+$0x1CE20] =	vst v13  }
0x125: {  	v11 =	vld [tilespmem:s31+$0x1CE20];
	[tilespmem:s28+$0x1CE30] =	vst v14;
	s28 =	smov.u32 s31  }
0x126: {  	v12 =	vld [tilespmem:s24+$0x0]  }
0x127: {  	v8 =	vld [tilespmem:s28+$0x1BE10]  }
0x128: {  	_ = 	snop  }
0x129: {  	v13 =	vld [tilespmem:s28+$0x1CE30];
	_ =	sdelay $0x1  }
0x12a: {  	v7 =	vadd.f32 v9, v7;
	v62 =	vld [tilespmem:s28+$0x1BE30];
	v12 =	vmul.f32 $5.000000000e-01, v12  }
0x12b: {  	v3 =	vadd.f32 v10, v3  }
0x12c: {  	v4 =	vmul.f32 $5.000000000e-01, v4;
	v5 =	vadd.f32 v11, v5;
	v7 =	vmul.f32 v7, v12  }
0x12d: {  	v8 =	vmul.f32 $5.000000000e-01, v8;
	v2 =	vadd.f32 v13, v2;
	v3 =	vmul.f32 v3, v12  }
0x12e: {  	v6 =	vmul.f32 $5.000000000e-01, v6;
	v5 =	vmul.f32 v5, v12;
	v4 =	vadd.f32 v4, v7  }
0x12f: {  	v63 =	vmul.f32 $5.000000000e-01, v62;
	v2 =	vmul.f32 v2, v12;
	v3 =	vadd.f32 v8, v3  }
0x130: {  	v5 =	vadd.f32 v6, v5;
	[tilespmem:s28+$0x1CE00] =	vst v4  }
0x131: {  	s25 =	sadd.s32 $0x1, s25;
	v2 =	vadd.f32 v63, v2;
	[tilespmem:s28+$0x1CE10] =	vst v3  }
0x132: {  	p0 =	sne.s32 s25, $0xA;
	[tilespmem:s28+$0x1CE20] =	vst v5  }
.Ltmp7:
0x133: {  	[tilespmem:s28+$0x1CE30] =	vst v2;
	(pc) =	sbr.rel @p0 .LBB2_15-.Ltmp7, $4  }
0x134: {  	[hbm4b:s26+s3] =	stream.linear.scatter [tilespmem:s12], [sflag:$0x3], $0x1000, $0x38;
	[tilespmem:$0x1DE00] =	vst v63  }
0x135: {  	_ =	swait.ge [sflag:s1], $0x1000  }
0x136: {  	[sflag:s1] =	ssyncset.done $0x0  }
0x137: {  	s30 =	sadd.s32 $0x400, s30;
	[sflag:s1] =	ssyncadd.s32 $0xFFFFF000  }
0x138: {  	s22 =	sadd.s32 $0x1, s22  }
0x139: {  	p0 =	sne.s32 s22, $0x32  }
.Ltmp8:
0x13a: {  	_ = 	snop;
	(pc) =	sbr.rel @p0 .LBB2_12-.Ltmp8, $2  }
0x13b: {  	_ =	sdelay $0x1  }
0x13c: {  	[bflag:$0x0] =	sbarrier.arrive $0xFFFF;
	_ =	sdelay $0x1  }
0x13d: {  	s21 =	sadd.s32 $0x1, s21;
	s22 =	rddreg [dreg:$0x6]  }
0x13e: {  	p0 =	sne.s32 s21, s22  }
.Ltmp9:
0x13f: {  	_ = 	snop;
	(pc) =	sbr.rel @p0 .LBB2_1-.Ltmp9, $1  }
0x140: {  	_ =	sdelay $0x3  }
0x141: {  	_ =	sfence.sel $0x180000  }
0x142: {  	[bflag:$0x0] =	sbarrier.arrive $0xFFFF  }
0x143: {  	_ =	strace $0x90000047  }
0x144: {  	s0 =	stileid.u32;
	[bflag:$0x2] =	sbarrier.arrive $0xFFFF  }
0x145: {  	p0 =	sne.s32 s0, $0x0;
	s0 =	rddreg [dreg:$0x3]  }
0x146: {  	s0 =	sadd.s32 @!p0 $0x100000, s0  }
0x147: {  	[sflag:s0] =	ssyncadd.tile.s32 @!p0 $0x1;
	_ =	shalt  }
.Lfunc_end2:
_tile_overlayer_lowered:
.L_overlay_start_2:
0x148: {  	(tag) =	ssettag $0x2  }
0x149: {  	s0 =	rddreg [dreg:$0x0];
	s2 =	stileid.u32  }
0x14a: {  	s1 =	rddreg [dreg:$0x1];
	p0 =	sne.s32 s2, $0x0  }
0x14b: {  	s3 =	rddreg [dreg:$0x2];
	[bflag:$0x3] =	sbarrier.arrive $0xFFFF;
	s2 =	simm.s32 @!p0 $0x1C03  }
0x14c: {  	[timem:s3], [sflag:s2] =	dma.local @!p0 [hbm:s0], s1  }
0x14d: {  	s0 =	simm.s32 @!p0 $0x3  }
0x14e: {  	_ =	swait.ge @!p0 [sflag:s0], s1  }
0x14f: {  	s1 =	ssub.s32 @!p0 $0x0, s1;
	[sflag:s0] =	ssyncset.done @!p0 $0x0  }
0x150: {  	[sflag:s0] =	ssyncadd.s32 @!p0 s1  }
0x151: {  	[bflag:$0x3] =	sbarrier.arrive $0xFFFF  }
0x152: {  	_ =	shalt  }

</sc_bundles>
